<compile_context>
chip_gen: v7x
topology: tpu7x:2x2x1
jax: 0.10.2.dev20260603
libtpu: 0.0.44.dev20260713+nightly
codegen_flags: <defaults>
</compile_context>

<pallas_src>
import jax
import jax.numpy as jnp
from jax import lax
from jax.experimental import pallas as pl
from jax.experimental.pallas import tpu as pltpu
from jax.experimental.pallas import tpu_sc as plsc

_N = 5000
_MAX_DET = 300
_SIGMA = 0.5
_SCORE_THRESH = 0.001

_L = 16
_NS = 16
_NPAD = 5120
_CHUNK = _NPAD // _NS
_NV = _CHUNK // _L
_OUT_PAD = 320
_MAT = _NS * _L


def _nms_body(x0_hbm, y0_hbm, x1_hbm, y1_hbm, sc_hbm, out_hbm,
              x0_v, y0_v, x1_v, y1_v, area_v, sc_a, sc_b, out_v, cand_v,
              mat_v, shared_v):
    cid = lax.axis_index("c")
    sid = lax.axis_index("s")
    base = sid * _CHUNK

    pltpu.sync_copy(x0_hbm.at[pl.ds(base, _CHUNK)], x0_v)
    pltpu.sync_copy(y0_hbm.at[pl.ds(base, _CHUNK)], y0_v)
    pltpu.sync_copy(x1_hbm.at[pl.ds(base, _CHUNK)], x1_v)
    pltpu.sync_copy(y1_hbm.at[pl.ds(base, _CHUNK)], y1_v)
    pltpu.sync_copy(sc_hbm.at[pl.ds(base, _CHUNK)], sc_a)

    lane = lax.iota(jnp.int32, _L)
    lane_f = lane.astype(jnp.float32)
    mask0 = lane == 0

    for j in range(_NV):
        sl = pl.ds(j * _L, _L)
        area_v[sl] = (x1_v[sl] - x0_v[sl]) * (y1_v[sl] - y0_v[sl])

    def publish_cand(m, mi):
        mloc = jnp.max(m)
        lidx_f = jnp.min(jnp.where(m == mloc, mi, jnp.float32(99999.0)))
        li_b = jnp.broadcast_to(lidx_f.astype(jnp.int32), (_L,))
        cx0 = plsc.load_gather(x0_v, [li_b])
        cy0 = plsc.load_gather(y0_v, [li_b])
        cx1 = plsc.load_gather(x1_v, [li_b])
        cy1 = plsc.load_gather(y1_v, [li_b])
        row = jnp.broadcast_to(mloc, (_L,))
        row = jnp.where(lane == 1, lidx_f, row)
        row = jnp.where(lane == 2, cx0, row)
        row = jnp.where(lane == 3, cy0, row)
        row = jnp.where(lane == 4, cx1, row)
        row = jnp.where(lane == 5, cy1, row)
        cand_v[...] = row

    m = jnp.full((_L,), -2.0, jnp.float32)
    mi = jnp.zeros((_L,), jnp.float32)
    for j in range(_NV):
        v = sc_a[pl.ds(j * _L, _L)]
        gt = v > m
        mi = jnp.where(gt, jnp.float32(j * _L) + lane_f, mi)
        m = jnp.where(gt, v, m)
    publish_cand(m, mi)

    def substep(i, off, src, dst):
        pltpu.sync_copy(cand_v, shared_v.at[pl.ds(off + sid * _L, _L)])
        plsc.subcore_barrier()
        pltpu.sync_copy(shared_v.at[pl.ds(off, _MAT)], mat_v)

        maxes = plsc.load_gather(mat_v, [lane * _L])
        mg = jnp.max(maxes)
        wt = plsc.all_reduce_ffs(maxes == mg)
        wrow = wt * _L
        lidxw = plsc.load_gather(mat_v, [wrow + 1])
        wx0 = plsc.load_gather(mat_v, [wrow + 2])
        wy0 = plsc.load_gather(mat_v, [wrow + 3])
        wx1 = plsc.load_gather(mat_v, [wrow + 4])
        wy1 = plsc.load_gather(mat_v, [wrow + 5])
        warea = (wx1 - wx0) * (wy1 - wy0)

        mg_t = jnp.where(mg < jnp.float32(_SCORE_THRESH), jnp.float32(0.0),
                         mg)
        plsc.store_scatter(out_v, [jnp.broadcast_to(i, (_L,))],
                           jnp.broadcast_to(mg_t, (_L,)), mask=mask0)

        plsc.store_scatter(src, [lidxw.astype(jnp.int32)],
                           jnp.full((_L,), -1.0, jnp.float32),
                           mask=mask0 & (wt == sid))

        m0 = jnp.full((_L,), -2.0, jnp.float32)
        mi0 = jnp.zeros((_L,), jnp.float32)

        @plsc.parallel_loop(0, _CHUNK, _L, unroll=2, carry=(m0, mi0))
        def fused(iv, c):
            m, mi = c
            sl = pl.ds(iv, _L)
            iw = jnp.maximum(
                jnp.minimum(wx1, x1_v[sl]) - jnp.maximum(wx0, x0_v[sl]), 0.0)
            ih = jnp.maximum(
                jnp.minimum(wy1, y1_v[sl]) - jnp.maximum(wy0, y0_v[sl]), 0.0)
            inter = iw * ih
            union = warea + area_v[sl] - inter
            iou = inter / (union + jnp.float32(1e-9))
            dec = jnp.exp(-(iou * iou) / jnp.float32(_SIGMA))
            sc = src[sl] * dec
            dst[sl] = sc
            gt = sc > m
            mi = jnp.where(gt, iv.astype(jnp.float32) + lane_f, mi)
            m = jnp.where(gt, sc, m)
            return (m, mi)

        publish_cand(*fused)

    def step(k, carry):
        i = k * 2
        substep(i, 0, sc_a, sc_b)
        substep(i + 1, _MAT, sc_b, sc_a)
        return carry

    lax.fori_loop(0, _MAX_DET // 2, step, 0)

    @pl.when(jnp.logical_and(cid == 0, sid == 0))
    def _():
        pltpu.sync_copy(out_v.at[pl.ds(0, _MAX_DET)], out_hbm)


@jax.jit
def kernel(boxes, scores):
    x0 = jnp.zeros((_NPAD,), jnp.float32).at[:_N].set(boxes[:, 0])
    y0 = jnp.zeros((_NPAD,), jnp.float32).at[:_N].set(boxes[:, 1])
    x1 = jnp.zeros((_NPAD,), jnp.float32).at[:_N].set(boxes[:, 2])
    y1 = jnp.zeros((_NPAD,), jnp.float32).at[:_N].set(boxes[:, 3])
    sc = jnp.full((_NPAD,), -1.0, jnp.float32).at[:_N].set(scores)

    mesh = plsc.VectorSubcoreMesh(core_axis_name="c", subcore_axis_name="s",
                                  num_cores=1, num_subcores=_NS)
    run = pl.kernel(
        _nms_body,
        out_type=jax.ShapeDtypeStruct((_MAX_DET,), jnp.float32),
        mesh=mesh,
        scratch_types=[
            pltpu.VMEM((_CHUNK,), jnp.float32),
            pltpu.VMEM((_CHUNK,), jnp.float32),
            pltpu.VMEM((_CHUNK,), jnp.float32),
            pltpu.VMEM((_CHUNK,), jnp.float32),
            pltpu.VMEM((_CHUNK,), jnp.float32),
            pltpu.VMEM((_CHUNK,), jnp.float32),
            pltpu.VMEM((_CHUNK,), jnp.float32),
            pltpu.VMEM((_OUT_PAD,), jnp.float32),
            pltpu.VMEM((_L,), jnp.float32),
            pltpu.VMEM((_MAT,), jnp.float32),
            pltpu.VMEM_SHARED((2 * _MAT,), jnp.float32),
        ],
        compiler_params=pltpu.CompilerParams(needs_layout_passes=False),
    )
    return run(x0, y0, x1, y1, sc)

# --- scband reference (transcript-rebuilt; emitter-appended) ---
"""Pipeline reference for scband-dalupi-17806934410013 (READ-ONLY COPY).

The authoritative reference and input builder live on the scoring server;
editing this copy changes nothing except your own understanding.
"""

import jax, jax.numpy as jnp
import numpy as np

N = 5000
MAX_DET = 300
SIGMA = 0.5
SCORE_THRESH = 0.001


def _box_iou(b1, b2):
    area1 = (b1[:, 2] - b1[:, 0]) * (b1[:, 3] - b1[:, 1])
    area2 = (b2[:, 2] - b2[:, 0]) * (b2[:, 3] - b2[:, 1])
    lt = jnp.maximum(b1[:, None, :2], b2[None, :, :2])
    rb = jnp.minimum(b1[:, None, 2:], b2[None, :, 2:])
    wh = jnp.clip(rb - lt, 0.0)
    inter = wh[..., 0] * wh[..., 1]
    union = area1[:, None] + area2[None, :] - inter
    return inter / (union + 1e-9)


def setup_inputs(seed: int = 0) -> dict:
    key = jax.random.key(seed)
    k1, k2, k3 = jax.random.split(key, 3)
    # valid boxes in xyxy format inside a 1024x1024 image
    cxcy = jax.random.uniform(k1, (N, 2), dtype=jnp.float32) * 1024.0
    wh = jax.random.uniform(k2, (N, 2), dtype=jnp.float32) * 128.0 + 8.0
    boxes = jnp.concatenate([cxcy - wh / 2.0, cxcy + wh / 2.0], axis=1)
    scores = jax.random.uniform(k3, (N,), dtype=jnp.float32)
    return {"boxes": boxes, "scores": scores}


def reference(boxes, scores):
    # Gaussian soft-NMS (greedy): full pairwise IoU, then MAX_DET sequential
    # selections, each decaying overlapping boxes' scores.
    iou = _box_iou(boxes, boxes)
    n = scores.shape[0]
    idx_range = jnp.arange(n)

    def step(carry, _):
        scores_work, selected = carry
        masked = jnp.where(selected, -1.0, scores_work)
        idx = jnp.argmax(masked)
        s = scores_work[idx]
        decay = jnp.exp(-(iou[idx] ** 2) / SIGMA)
        scores_new = scores_work * decay
        selected_new = selected | (idx_range == idx)
        return (scores_new, selected_new), s

    init = (scores, jnp.zeros((n,), dtype=bool))
    _, sel_scores = jax.lax.scan(step, init, None, length=MAX_DET)
    sel_scores = jnp.where(sel_scores < SCORE_THRESH, 0.0, sel_scores)
    return sel_scores

if __name__ == "__main__":
    import jax
    _d = setup_inputs()
    print(jax.jit(kernel)(*tuple(_d.values())))

</pallas_src>

<mosaic_0001>
#map = affine_map<(d0, d1) -> (0)>
module attributes {stable_mosaic.version = 14 : i64} {
  func.func @_nms_body(%arg0: i32, %arg1: i32, %arg2: memref<5120xf32, #tpu.memory_space<hbm>>, %arg3: memref<5120xf32, #tpu.memory_space<hbm>>, %arg4: memref<5120xf32, #tpu.memory_space<hbm>>, %arg5: memref<5120xf32, #tpu.memory_space<hbm>>, %arg6: memref<5120xf32, #tpu.memory_space<hbm>>, %arg7: memref<300xf32, #tpu.memory_space<hbm>>, %arg8: memref<320xf32, #tpu.memory_space<vmem>>, %arg9: memref<320xf32, #tpu.memory_space<vmem>>, %arg10: memref<320xf32, #tpu.memory_space<vmem>>, %arg11: memref<320xf32, #tpu.memory_space<vmem>>, %arg12: memref<320xf32, #tpu.memory_space<vmem>>, %arg13: memref<320xf32, #tpu.memory_space<vmem>>, %arg14: memref<320xf32, #tpu.memory_space<vmem>>, %arg15: memref<320xf32, #tpu.memory_space<vmem>>, %arg16: memref<16xf32, #tpu.memory_space<vmem>>, %arg17: memref<256xf32, #tpu.memory_space<vmem>>, %arg18: memref<512xf32, #tpu.memory_space<vmem_shared>>) attributes {dimension_semantics = [#tpu.dimension_semantics<core_parallel>, #tpu.dimension_semantics<subcore_parallel>], iteration_bounds = array<i64: 1, 16>, scalar_prefetch = 0 : i64, scratch_operands = 11 : i64, tpu.core_type = #tpu.core_type<sc_vector_subcore>, window_params = [{transform_indices = #map}, {transform_indices = #map}, {transform_indices = #map}, {transform_indices = #map}, {transform_indices = #map}, {transform_indices = #map}]} {
    %mul3A = arith.constant 320 : i32
    %mul3A_0 = arith.muli %arg1, %mul3A : i32
    "tpu.region"() ({
      %run_scoped3A = tpu.sem_alloc : memref<!tpu.dma_semaphore, #tpu.memory_space<semaphore_mem>>
      %dma_start3A = tpu.memref_slice %arg2[%mul3A_0] : memref<5120xf32, #tpu.memory_space<hbm>> -> memref<320xf32, #tpu.memory_space<hbm>>
      %dma_start3A_470 = tpu.memref_slice %arg2[%mul3A_0] : memref<5120xf32, #tpu.memory_space<hbm>> -> memref<320xf32, #tpu.memory_space<hbm>>
      tpu.enqueue_dma source(%dma_start3A_470 : memref<320xf32, #tpu.memory_space<hbm>>) target(%arg8 : memref<320xf32, #tpu.memory_space<vmem>>) target_semaphore(%run_scoped3A : memref<!tpu.dma_semaphore, #tpu.memory_space<semaphore_mem>>)
      %dma_wait3A = tpu.memref_slice %arg2[%mul3A_0] : memref<5120xf32, #tpu.memory_space<hbm>> -> memref<320xf32, #tpu.memory_space<hbm>>
      %dma_wait3A_471 = tpu.memref_slice %arg2[%mul3A_0] : memref<5120xf32, #tpu.memory_space<hbm>> -> memref<320xf32, #tpu.memory_space<hbm>>
      tpu.wait_dma2 semaphore(%run_scoped3A : memref<!tpu.dma_semaphore, #tpu.memory_space<semaphore_mem>>) src(%dma_wait3A_471 : memref<320xf32, #tpu.memory_space<hbm>>) dst(%arg8 : memref<320xf32, #tpu.memory_space<vmem>>)
      tpu.yield
    }) : () -> ()
    "tpu.region"() ({
      %run_scoped3A = tpu.sem_alloc : memref<!tpu.dma_semaphore, #tpu.memory_space<semaphore_mem>>
      %dma_start3A = tpu.memref_slice %arg3[%mul3A_0] : memref<5120xf32, #tpu.memory_space<hbm>> -> memref<320xf32, #tpu.memory_space<hbm>>
      %dma_start3A_470 = tpu.memref_slice %arg3[%mul3A_0] : memref<5120xf32, #tpu.memory_space<hbm>> -> memref<320xf32, #tpu.memory_space<hbm>>
      tpu.enqueue_dma source(%dma_start3A_470 : memref<320xf32, #tpu.memory_space<hbm>>) target(%arg9 : memref<320xf32, #tpu.memory_space<vmem>>) target_semaphore(%run_scoped3A : memref<!tpu.dma_semaphore, #tpu.memory_space<semaphore_mem>>)
      %dma_wait3A = tpu.memref_slice %arg3[%mul3A_0] : memref<5120xf32, #tpu.memory_space<hbm>> -> memref<320xf32, #tpu.memory_space<hbm>>
      %dma_wait3A_471 = tpu.memref_slice %arg3[%mul3A_0] : memref<5120xf32, #tpu.memory_space<hbm>> -> memref<320xf32, #tpu.memory_space<hbm>>
      tpu.wait_dma2 semaphore(%run_scoped3A : memref<!tpu.dma_semaphore, #tpu.memory_space<semaphore_mem>>) src(%dma_wait3A_471 : memref<320xf32, #tpu.memory_space<hbm>>) dst(%arg9 : memref<320xf32, #tpu.memory_space<vmem>>)
      tpu.yield
    }) : () -> ()
    "tpu.region"() ({
      %run_scoped3A = tpu.sem_alloc : memref<!tpu.dma_semaphore, #tpu.memory_space<semaphore_mem>>
      %dma_start3A = tpu.memref_slice %arg4[%mul3A_0] : memref<5120xf32, #tpu.memory_space<hbm>> -> memref<320xf32, #tpu.memory_space<hbm>>
      %dma_start3A_470 = tpu.memref_slice %arg4[%mul3A_0] : memref<5120xf32, #tpu.memory_space<hbm>> -> memref<320xf32, #tpu.memory_space<hbm>>
      tpu.enqueue_dma source(%dma_start3A_470 : memref<320xf32, #tpu.memory_space<hbm>>) target(%arg10 : memref<320xf32, #tpu.memory_space<vmem>>) target_semaphore(%run_scoped3A : memref<!tpu.dma_semaphore, #tpu.memory_space<semaphore_mem>>)
      %dma_wait3A = tpu.memref_slice %arg4[%mul3A_0] : memref<5120xf32, #tpu.memory_space<hbm>> -> memref<320xf32, #tpu.memory_space<hbm>>
      %dma_wait3A_471 = tpu.memref_slice %arg4[%mul3A_0] : memref<5120xf32, #tpu.memory_space<hbm>> -> memref<320xf32, #tpu.memory_space<hbm>>
      tpu.wait_dma2 semaphore(%run_scoped3A : memref<!tpu.dma_semaphore, #tpu.memory_space<semaphore_mem>>) src(%dma_wait3A_471 : memref<320xf32, #tpu.memory_space<hbm>>) dst(%arg10 : memref<320xf32, #tpu.memory_space<vmem>>)
      tpu.yield
    }) : () -> ()
    "tpu.region"() ({
      %run_scoped3A = tpu.sem_alloc : memref<!tpu.dma_semaphore, #tpu.memory_space<semaphore_mem>>
      %dma_start3A = tpu.memref_slice %arg5[%mul3A_0] : memref<5120xf32, #tpu.memory_space<hbm>> -> memref<320xf32, #tpu.memory_space<hbm>>
      %dma_start3A_470 = tpu.memref_slice %arg5[%mul3A_0] : memref<5120xf32, #tpu.memory_space<hbm>> -> memref<320xf32, #tpu.memory_space<hbm>>
      tpu.enqueue_dma source(%dma_start3A_470 : memref<320xf32, #tpu.memory_space<hbm>>) target(%arg11 : memref<320xf32, #tpu.memory_space<vmem>>) target_semaphore(%run_scoped3A : memref<!tpu.dma_semaphore, #tpu.memory_space<semaphore_mem>>)
      %dma_wait3A = tpu.memref_slice %arg5[%mul3A_0] : memref<5120xf32, #tpu.memory_space<hbm>> -> memref<320xf32, #tpu.memory_space<hbm>>
      %dma_wait3A_471 = tpu.memref_slice %arg5[%mul3A_0] : memref<5120xf32, #tpu.memory_space<hbm>> -> memref<320xf32, #tpu.memory_space<hbm>>
      tpu.wait_dma2 semaphore(%run_scoped3A : memref<!tpu.dma_semaphore, #tpu.memory_space<semaphore_mem>>) src(%dma_wait3A_471 : memref<320xf32, #tpu.memory_space<hbm>>) dst(%arg11 : memref<320xf32, #tpu.memory_space<vmem>>)
      tpu.yield
    }) : () -> ()
    "tpu.region"() ({
      %run_scoped3A = tpu.sem_alloc : memref<!tpu.dma_semaphore, #tpu.memory_space<semaphore_mem>>
      %dma_start3A = tpu.memref_slice %arg6[%mul3A_0] : memref<5120xf32, #tpu.memory_space<hbm>> -> memref<320xf32, #tpu.memory_space<hbm>>
      %dma_start3A_470 = tpu.memref_slice %arg6[%mul3A_0] : memref<5120xf32, #tpu.memory_space<hbm>> -> memref<320xf32, #tpu.memory_space<hbm>>
      tpu.enqueue_dma source(%dma_start3A_470 : memref<320xf32, #tpu.memory_space<hbm>>) target(%arg13 : memref<320xf32, #tpu.memory_space<vmem>>) target_semaphore(%run_scoped3A : memref<!tpu.dma_semaphore, #tpu.memory_space<semaphore_mem>>)
      %dma_wait3A = tpu.memref_slice %arg6[%mul3A_0] : memref<5120xf32, #tpu.memory_space<hbm>> -> memref<320xf32, #tpu.memory_space<hbm>>
      %dma_wait3A_471 = tpu.memref_slice %arg6[%mul3A_0] : memref<5120xf32, #tpu.memory_space<hbm>> -> memref<320xf32, #tpu.memory_space<hbm>>
      tpu.wait_dma2 semaphore(%run_scoped3A : memref<!tpu.dma_semaphore, #tpu.memory_space<semaphore_mem>>) src(%dma_wait3A_471 : memref<320xf32, #tpu.memory_space<hbm>>) dst(%arg13 : memref<320xf32, #tpu.memory_space<vmem>>)
      tpu.yield
    }) : () -> ()
    %iota3A = tpu.iota {dimensions = array<i32: 0>} : vector<16xi32>
    %convert_element_type3A = arith.sitofp %iota3A : vector<16xi32> to vector<16xf32>
    %eq3A = arith.constant 0 : i32
    %eq3A_1 = vector.broadcast %eq3A : i32 to vector<16xi32>
    %eq3A_2 = arith.cmpi eq, %iota3A, %eq3A_1 : vector<16xi32>
    %get3A = arith.constant 0 : index
    %get3A_3 = tpu.vector_load %arg10[%get3A] {strides = array<i32>} : memref<320xf32, #tpu.memory_space<vmem>>, vector<16xf32>,
    %get3A_4 = arith.constant 0 : index
    %get3A_5 = tpu.vector_load %arg8[%get3A_4] {strides = array<i32>} : memref<320xf32, #tpu.memory_space<vmem>>, vector<16xf32>,
    %sub3A = arith.subf %get3A_3, %get3A_5 : vector<16xf32>
    %get3A_6 = arith.constant 0 : index
    %get3A_7 = tpu.vector_load %arg11[%get3A_6] {strides = array<i32>} : memref<320xf32, #tpu.memory_space<vmem>>, vector<16xf32>,
    %get3A_8 = arith.constant 0 : index
    %get3A_9 = tpu.vector_load %arg9[%get3A_8] {strides = array<i32>} : memref<320xf32, #tpu.memory_space<vmem>>, vector<16xf32>,
    %sub3A_10 = arith.subf %get3A_7, %get3A_9 : vector<16xf32>
    %mul3A_11 = arith.mulf %sub3A, %sub3A_10 : vector<16xf32>
    %swap3A = arith.constant 0 : index
    %swap3A_12 = tpu.vector_load %arg12[%swap3A] {strides = array<i32>} : memref<320xf32, #tpu.memory_space<vmem>>, vector<16xf32>,
    tpu.vector_store %arg12[%swap3A], %mul3A_11 {strides = array<i32>} : memref<320xf32, #tpu.memory_space<vmem>>, vector<16xf32>,
    %get3A_13 = arith.constant 16 : index
    %get3A_14 = tpu.vector_load %arg10[%get3A_13] {strides = array<i32>} : memref<320xf32, #tpu.memory_space<vmem>>, vector<16xf32>,
    %get3A_15 = arith.constant 16 : index
    %get3A_16 = tpu.vector_load %arg8[%get3A_15] {strides = array<i32>} : memref<320xf32, #tpu.memory_space<vmem>>, vector<16xf32>,
    %sub3A_17 = arith.subf %get3A_14, %get3A_16 : vector<16xf32>
    %get3A_18 = arith.constant 16 : index
    %get3A_19 = tpu.vector_load %arg11[%get3A_18] {strides = array<i32>} : memref<320xf32, #tpu.memory_space<vmem>>, vector<16xf32>,
    %get3A_20 = arith.constant 16 : index
    %get3A_21 = tpu.vector_load %arg9[%get3A_20] {strides = array<i32>} : memref<320xf32, #tpu.memory_space<vmem>>, vector<16xf32>,
    %sub3A_22 = arith.subf %get3A_19, %get3A_21 : vector<16xf32>
    %mul3A_23 = arith.mulf %sub3A_17, %sub3A_22 : vector<16xf32>
    %swap3A_24 = arith.constant 16 : index
    %swap3A_25 = tpu.vector_load %arg12[%swap3A_24] {strides = array<i32>} : memref<320xf32, #tpu.memory_space<vmem>>, vector<16xf32>,
    tpu.vector_store %arg12[%swap3A_24], %mul3A_23 {strides = array<i32>} : memref<320xf32, #tpu.memory_space<vmem>>, vector<16xf32>,
    %get3A_26 = arith.constant 32 : index
    %get3A_27 = tpu.vector_load %arg10[%get3A_26] {strides = array<i32>} : memref<320xf32, #tpu.memory_space<vmem>>, vector<16xf32>,
    %get3A_28 = arith.constant 32 : index
    %get3A_29 = tpu.vector_load %arg8[%get3A_28] {strides = array<i32>} : memref<320xf32, #tpu.memory_space<vmem>>, vector<16xf32>,
    %sub3A_30 = arith.subf %get3A_27, %get3A_29 : vector<16xf32>
    %get3A_31 = arith.constant 32 : index
    %get3A_32 = tpu.vector_load %arg11[%get3A_31] {strides = array<i32>} : memref<320xf32, #tpu.memory_space<vmem>>, vector<16xf32>,
    %get3A_33 = arith.constant 32 : index
    %get3A_34 = tpu.vector_load %arg9[%get3A_33] {strides = array<i32>} : memref<320xf32, #tpu.memory_space<vmem>>, vector<16xf32>,
    %sub3A_35 = arith.subf %get3A_32, %get3A_34 : vector<16xf32>
    %mul3A_36 = arith.mulf %sub3A_30, %sub3A_35 : vector<16xf32>
    %swap3A_37 = arith.constant 32 : index
    %swap3A_38 = tpu.vector_load %arg12[%swap3A_37] {strides = array<i32>} : memref<320xf32, #tpu.memory_space<vmem>>, vector<16xf32>,
    tpu.vector_store %arg12[%swap3A_37], %mul3A_36 {strides = array<i32>} : memref<320xf32, #tpu.memory_space<vmem>>, vector<16xf32>,
    %get3A_39 = arith.constant 48 : index
    %get3A_40 = tpu.vector_load %arg10[%get3A_39] {strides = array<i32>} : memref<320xf32, #tpu.memory_space<vmem>>, vector<16xf32>,
    %get3A_41 = arith.constant 48 : index
    %get3A_42 = tpu.vector_load %arg8[%get3A_41] {strides = array<i32>} : memref<320xf32, #tpu.memory_space<vmem>>, vector<16xf32>,
    %sub3A_43 = arith.subf %get3A_40, %get3A_42 : vector<16xf32>
    %get3A_44 = arith.constant 48 : index
    %get3A_45 = tpu.vector_load %arg11[%get3A_44] {strides = array<i32>} : memref<320xf32, #tpu.memory_space<vmem>>, vector<16xf32>,
    %get3A_46 = arith.constant 48 : index
    %get3A_47 = tpu.vector_load %arg9[%get3A_46] {strides = array<i32>} : memref<320xf32, #tpu.memory_space<vmem>>, vector<16xf32>,
    %sub3A_48 = arith.subf %get3A_45, %get3A_47 : vector<16xf32>
    %mul3A_49 = arith.mulf %sub3A_43, %sub3A_48 : vector<16xf32>
    %swap3A_50 = arith.constant 48 : index
    %swap3A_51 = tpu.vector_load %arg12[%swap3A_50] {strides = array<i32>} : memref<320xf32, #tpu.memory_space<vmem>>, vector<16xf32>,
    tpu.vector_store %arg12[%swap3A_50], %mul3A_49 {strides = array<i32>} : memref<320xf32, #tpu.memory_space<vmem>>, vector<16xf32>,
    %get3A_52 = arith.constant 64 : index
    %get3A_53 = tpu.vector_load %arg10[%get3A_52] {strides = array<i32>} : memref<320xf32, #tpu.memory_space<vmem>>, vector<16xf32>,
    %get3A_54 = arith.constant 64 : index
    %get3A_55 = tpu.vector_load %arg8[%get3A_54] {strides = array<i32>} : memref<320xf32, #tpu.memory_space<vmem>>, vector<16xf32>,
    %sub3A_56 = arith.subf %get3A_53, %get3A_55 : vector<16xf32>
    %get3A_57 = arith.constant 64 : index
    %get3A_58 = tpu.vector_load %arg11[%get3A_57] {strides = array<i32>} : memref<320xf32, #tpu.memory_space<vmem>>, vector<16xf32>,
    %get3A_59 = arith.constant 64 : index
    %get3A_60 = tpu.vector_load %arg9[%get3A_59] {strides = array<i32>} : memref<320xf32, #tpu.memory_space<vmem>>, vector<16xf32>,
    %sub3A_61 = arith.subf %get3A_58, %get3A_60 : vector<16xf32>
    %mul3A_62 = arith.mulf %sub3A_56, %sub3A_61 : vector<16xf32>
    %swap3A_63 = arith.constant 64 : index
    %swap3A_64 = tpu.vector_load %arg12[%swap3A_63] {strides = array<i32>} : memref<320xf32, #tpu.memory_space<vmem>>, vector<16xf32>,
    tpu.vector_store %arg12[%swap3A_63], %mul3A_62 {strides = array<i32>} : memref<320xf32, #tpu.memory_space<vmem>>, vector<16xf32>,
    %get3A_65 = arith.constant 80 : index
    %get3A_66 = tpu.vector_load %arg10[%get3A_65] {strides = array<i32>} : memref<320xf32, #tpu.memory_space<vmem>>, vector<16xf32>,
    %get3A_67 = arith.constant 80 : index
    %get3A_68 = tpu.vector_load %arg8[%get3A_67] {strides = array<i32>} : memref<320xf32, #tpu.memory_space<vmem>>, vector<16xf32>,
    %sub3A_69 = arith.subf %get3A_66, %get3A_68 : vector<16xf32>
    %get3A_70 = arith.constant 80 : index
    %get3A_71 = tpu.vector_load %arg11[%get3A_70] {strides = array<i32>} : memref<320xf32, #tpu.memory_space<vmem>>, vector<16xf32>,
    %get3A_72 = arith.constant 80 : index
    %get3A_73 = tpu.vector_load %arg9[%get3A_72] {strides = array<i32>} : memref<320xf32, #tpu.memory_space<vmem>>, vector<16xf32>,
    %sub3A_74 = arith.subf %get3A_71, %get3A_73 : vector<16xf32>
    %mul3A_75 = arith.mulf %sub3A_69, %sub3A_74 : vector<16xf32>
    %swap3A_76 = arith.constant 80 : index
    %swap3A_77 = tpu.vector_load %arg12[%swap3A_76] {strides = array<i32>} : memref<320xf32, #tpu.memory_space<vmem>>, vector<16xf32>,
    tpu.vector_store %arg12[%swap3A_76], %mul3A_75 {strides = array<i32>} : memref<320xf32, #tpu.memory_space<vmem>>, vector<16xf32>,
    %get3A_78 = arith.constant 96 : index
    %get3A_79 = tpu.vector_load %arg10[%get3A_78] {strides = array<i32>} : memref<320xf32, #tpu.memory_space<vmem>>, vector<16xf32>,
    %get3A_80 = arith.constant 96 : index
    %get3A_81 = tpu.vector_load %arg8[%get3A_80] {strides = array<i32>} : memref<320xf32, #tpu.memory_space<vmem>>, vector<16xf32>,
    %sub3A_82 = arith.subf %get3A_79, %get3A_81 : vector<16xf32>
    %get3A_83 = arith.constant 96 : index
    %get3A_84 = tpu.vector_load %arg11[%get3A_83] {strides = array<i32>} : memref<320xf32, #tpu.memory_space<vmem>>, vector<16xf32>,
    %get3A_85 = arith.constant 96 : index
    %get3A_86 = tpu.vector_load %arg9[%get3A_85] {strides = array<i32>} : memref<320xf32, #tpu.memory_space<vmem>>, vector<16xf32>,
    %sub3A_87 = arith.subf %get3A_84, %get3A_86 : vector<16xf32>
    %mul3A_88 = arith.mulf %sub3A_82, %sub3A_87 : vector<16xf32>
    %swap3A_89 = arith.constant 96 : index
    %swap3A_90 = tpu.vector_load %arg12[%swap3A_89] {strides = array<i32>} : memref<320xf32, #tpu.memory_space<vmem>>, vector<16xf32>,
    tpu.vector_store %arg12[%swap3A_89], %mul3A_88 {strides = array<i32>} : memref<320xf32, #tpu.memory_space<vmem>>, vector<16xf32>,
    %get3A_91 = arith.constant 112 : index
    %get3A_92 = tpu.vector_load %arg10[%get3A_91] {strides = array<i32>} : memref<320xf32, #tpu.memory_space<vmem>>, vector<16xf32>,
    %get3A_93 = arith.constant 112 : index
    %get3A_94 = tpu.vector_load %arg8[%get3A_93] {strides = array<i32>} : memref<320xf32, #tpu.memory_space<vmem>>, vector<16xf32>,
    %sub3A_95 = arith.subf %get3A_92, %get3A_94 : vector<16xf32>
    %get3A_96 = arith.constant 112 : index
    %get3A_97 = tpu.vector_load %arg11[%get3A_96] {strides = array<i32>} : memref<320xf32, #tpu.memory_space<vmem>>, vector<16xf32>,
    %get3A_98 = arith.constant 112 : index
    %get3A_99 = tpu.vector_load %arg9[%get3A_98] {strides = array<i32>} : memref<320xf32, #tpu.memory_space<vmem>>, vector<16xf32>,
    %sub3A_100 = arith.subf %get3A_97, %get3A_99 : vector<16xf32>
    %mul3A_101 = arith.mulf %sub3A_95, %sub3A_100 : vector<16xf32>
    %swap3A_102 = arith.constant 112 : index
    %swap3A_103 = tpu.vector_load %arg12[%swap3A_102] {strides = array<i32>} : memref<320xf32, #tpu.memory_space<vmem>>, vector<16xf32>,
    tpu.vector_store %arg12[%swap3A_102], %mul3A_101 {strides = array<i32>} : memref<320xf32, #tpu.memory_space<vmem>>, vector<16xf32>,
    %get3A_104 = arith.constant 128 : index
    %get3A_105 = tpu.vector_load %arg10[%get3A_104] {strides = array<i32>} : memref<320xf32, #tpu.memory_space<vmem>>, vector<16xf32>,
    %get3A_106 = arith.constant 128 : index
    %get3A_107 = tpu.vector_load %arg8[%get3A_106] {strides = array<i32>} : memref<320xf32, #tpu.memory_space<vmem>>, vector<16xf32>,
    %sub3A_108 = arith.subf %get3A_105, %get3A_107 : vector<16xf32>
    %get3A_109 = arith.constant 128 : index
    %get3A_110 = tpu.vector_load %arg11[%get3A_109] {strides = array<i32>} : memref<320xf32, #tpu.memory_space<vmem>>, vector<16xf32>,
    %get3A_111 = arith.constant 128 : index
    %get3A_112 = tpu.vector_load %arg9[%get3A_111] {strides = array<i32>} : memref<320xf32, #tpu.memory_space<vmem>>, vector<16xf32>,
    %sub3A_113 = arith.subf %get3A_110, %get3A_112 : vector<16xf32>
    %mul3A_114 = arith.mulf %sub3A_108, %sub3A_113 : vector<16xf32>
    %swap3A_115 = arith.constant 128 : index
    %swap3A_116 = tpu.vector_load %arg12[%swap3A_115] {strides = array<i32>} : memref<320xf32, #tpu.memory_space<vmem>>, vector<16xf32>,
    tpu.vector_store %arg12[%swap3A_115], %mul3A_114 {strides = array<i32>} : memref<320xf32, #tpu.memory_space<vmem>>, vector<16xf32>,
    %get3A_117 = arith.constant 144 : index
    %get3A_118 = tpu.vector_load %arg10[%get3A_117] {strides = array<i32>} : memref<320xf32, #tpu.memory_space<vmem>>, vector<16xf32>,
    %get3A_119 = arith.constant 144 : index
    %get3A_120 = tpu.vector_load %arg8[%get3A_119] {strides = array<i32>} : memref<320xf32, #tpu.memory_space<vmem>>, vector<16xf32>,
    %sub3A_121 = arith.subf %get3A_118, %get3A_120 : vector<16xf32>
    %get3A_122 = arith.constant 144 : index
    %get3A_123 = tpu.vector_load %arg11[%get3A_122] {strides = array<i32>} : memref<320xf32, #tpu.memory_space<vmem>>, vector<16xf32>,
    %get3A_124 = arith.constant 144 : index
    %get3A_125 = tpu.vector_load %arg9[%get3A_124] {strides = array<i32>} : memref<320xf32, #tpu.memory_space<vmem>>, vector<16xf32>,
    %sub3A_126 = arith.subf %get3A_123, %get3A_125 : vector<16xf32>
    %mul3A_127 = arith.mulf %sub3A_121, %sub3A_126 : vector<16xf32>
    %swap3A_128 = arith.constant 144 : index
    %swap3A_129 = tpu.vector_load %arg12[%swap3A_128] {strides = array<i32>} : memref<320xf32, #tpu.memory_space<vmem>>, vector<16xf32>,
    tpu.vector_store %arg12[%swap3A_128], %mul3A_127 {strides = array<i32>} : memref<320xf32, #tpu.memory_space<vmem>>, vector<16xf32>,
    %get3A_130 = arith.constant 160 : index
    %get3A_131 = tpu.vector_load %arg10[%get3A_130] {strides = array<i32>} : memref<320xf32, #tpu.memory_space<vmem>>, vector<16xf32>,
    %get3A_132 = arith.constant 160 : index
    %get3A_133 = tpu.vector_load %arg8[%get3A_132] {strides = array<i32>} : memref<320xf32, #tpu.memory_space<vmem>>, vector<16xf32>,
    %sub3A_134 = arith.subf %get3A_131, %get3A_133 : vector<16xf32>
    %get3A_135 = arith.constant 160 : index
    %get3A_136 = tpu.vector_load %arg11[%get3A_135] {strides = array<i32>} : memref<320xf32, #tpu.memory_space<vmem>>, vector<16xf32>,
    %get3A_137 = arith.constant 160 : index
    %get3A_138 = tpu.vector_load %arg9[%get3A_137] {strides = array<i32>} : memref<320xf32, #tpu.memory_space<vmem>>, vector<16xf32>,
    %sub3A_139 = arith.subf %get3A_136, %get3A_138 : vector<16xf32>
    %mul3A_140 = arith.mulf %sub3A_134, %sub3A_139 : vector<16xf32>
    %swap3A_141 = arith.constant 160 : index
    %swap3A_142 = tpu.vector_load %arg12[%swap3A_141] {strides = array<i32>} : memref<320xf32, #tpu.memory_space<vmem>>, vector<16xf32>,
    tpu.vector_store %arg12[%swap3A_141], %mul3A_140 {strides = array<i32>} : memref<320xf32, #tpu.memory_space<vmem>>, vector<16xf32>,
    %get3A_143 = arith.constant 176 : index
    %get3A_144 = tpu.vector_load %arg10[%get3A_143] {strides = array<i32>} : memref<320xf32, #tpu.memory_space<vmem>>, vector<16xf32>,
    %get3A_145 = arith.constant 176 : index
    %get3A_146 = tpu.vector_load %arg8[%get3A_145] {strides = array<i32>} : memref<320xf32, #tpu.memory_space<vmem>>, vector<16xf32>,
    %sub3A_147 = arith.subf %get3A_144, %get3A_146 : vector<16xf32>
    %get3A_148 = arith.constant 176 : index
    %get3A_149 = tpu.vector_load %arg11[%get3A_148] {strides = array<i32>} : memref<320xf32, #tpu.memory_space<vmem>>, vector<16xf32>,
    %get3A_150 = arith.constant 176 : index
    %get3A_151 = tpu.vector_load %arg9[%get3A_150] {strides = array<i32>} : memref<320xf32, #tpu.memory_space<vmem>>, vector<16xf32>,
    %sub3A_152 = arith.subf %get3A_149, %get3A_151 : vector<16xf32>
    %mul3A_153 = arith.mulf %sub3A_147, %sub3A_152 : vector<16xf32>
    %swap3A_154 = arith.constant 176 : index
    %swap3A_155 = tpu.vector_load %arg12[%swap3A_154] {strides = array<i32>} : memref<320xf32, #tpu.memory_space<vmem>>, vector<16xf32>,
    tpu.vector_store %arg12[%swap3A_154], %mul3A_153 {strides = array<i32>} : memref<320xf32, #tpu.memory_space<vmem>>, vector<16xf32>,
    %get3A_156 = arith.constant 192 : index
    %get3A_157 = tpu.vector_load %arg10[%get3A_156] {strides = array<i32>} : memref<320xf32, #tpu.memory_space<vmem>>, vector<16xf32>,
    %get3A_158 = arith.constant 192 : index
    %get3A_159 = tpu.vector_load %arg8[%get3A_158] {strides = array<i32>} : memref<320xf32, #tpu.memory_space<vmem>>, vector<16xf32>,
    %sub3A_160 = arith.subf %get3A_157, %get3A_159 : vector<16xf32>
    %get3A_161 = arith.constant 192 : index
    %get3A_162 = tpu.vector_load %arg11[%get3A_161] {strides = array<i32>} : memref<320xf32, #tpu.memory_space<vmem>>, vector<16xf32>,
    %get3A_163 = arith.constant 192 : index
    %get3A_164 = tpu.vector_load %arg9[%get3A_163] {strides = array<i32>} : memref<320xf32, #tpu.memory_space<vmem>>, vector<16xf32>,
    %sub3A_165 = arith.subf %get3A_162, %get3A_164 : vector<16xf32>
    %mul3A_166 = arith.mulf %sub3A_160, %sub3A_165 : vector<16xf32>
    %swap3A_167 = arith.constant 192 : index
    %swap3A_168 = tpu.vector_load %arg12[%swap3A_167] {strides = array<i32>} : memref<320xf32, #tpu.memory_space<vmem>>, vector<16xf32>,
    tpu.vector_store %arg12[%swap3A_167], %mul3A_166 {strides = array<i32>} : memref<320xf32, #tpu.memory_space<vmem>>, vector<16xf32>,
    %get3A_169 = arith.constant 208 : index
    %get3A_170 = tpu.vector_load %arg10[%get3A_169] {strides = array<i32>} : memref<320xf32, #tpu.memory_space<vmem>>, vector<16xf32>,
    %get3A_171 = arith.constant 208 : index
    %get3A_172 = tpu.vector_load %arg8[%get3A_171] {strides = array<i32>} : memref<320xf32, #tpu.memory_space<vmem>>, vector<16xf32>,
    %sub3A_173 = arith.subf %get3A_170, %get3A_172 : vector<16xf32>
    %get3A_174 = arith.constant 208 : index
    %get3A_175 = tpu.vector_load %arg11[%get3A_174] {strides = array<i32>} : memref<320xf32, #tpu.memory_space<vmem>>, vector<16xf32>,
    %get3A_176 = arith.constant 208 : index
    %get3A_177 = tpu.vector_load %arg9[%get3A_176] {strides = array<i32>} : memref<320xf32, #tpu.memory_space<vmem>>, vector<16xf32>,
    %sub3A_178 = arith.subf %get3A_175, %get3A_177 : vector<16xf32>
    %mul3A_179 = arith.mulf %sub3A_173, %sub3A_178 : vector<16xf32>
    %swap3A_180 = arith.constant 208 : index
    %swap3A_181 = tpu.vector_load %arg12[%swap3A_180] {strides = array<i32>} : memref<320xf32, #tpu.memory_space<vmem>>, vector<16xf32>,
    tpu.vector_store %arg12[%swap3A_180], %mul3A_179 {strides = array<i32>} : memref<320xf32, #tpu.memory_space<vmem>>, vector<16xf32>,
    %get3A_182 = arith.constant 224 : index
    %get3A_183 = tpu.vector_load %arg10[%get3A_182] {strides = array<i32>} : memref<320xf32, #tpu.memory_space<vmem>>, vector<16xf32>,
    %get3A_184 = arith.constant 224 : index
    %get3A_185 = tpu.vector_load %arg8[%get3A_184] {strides = array<i32>} : memref<320xf32, #tpu.memory_space<vmem>>, vector<16xf32>,
    %sub3A_186 = arith.subf %get3A_183, %get3A_185 : vector<16xf32>
    %get3A_187 = arith.constant 224 : index
    %get3A_188 = tpu.vector_load %arg11[%get3A_187] {strides = array<i32>} : memref<320xf32, #tpu.memory_space<vmem>>, vector<16xf32>,
    %get3A_189 = arith.constant 224 : index
    %get3A_190 = tpu.vector_load %arg9[%get3A_189] {strides = array<i32>} : memref<320xf32, #tpu.memory_space<vmem>>, vector<16xf32>,
    %sub3A_191 = arith.subf %get3A_188, %get3A_190 : vector<16xf32>
    %mul3A_192 = arith.mulf %sub3A_186, %sub3A_191 : vector<16xf32>
    %swap3A_193 = arith.constant 224 : index
    %swap3A_194 = tpu.vector_load %arg12[%swap3A_193] {strides = array<i32>} : memref<320xf32, #tpu.memory_space<vmem>>, vector<16xf32>,
    tpu.vector_store %arg12[%swap3A_193], %mul3A_192 {strides = array<i32>} : memref<320xf32, #tpu.memory_space<vmem>>, vector<16xf32>,
    %get3A_195 = arith.constant 240 : index
    %get3A_196 = tpu.vector_load %arg10[%get3A_195] {strides = array<i32>} : memref<320xf32, #tpu.memory_space<vmem>>, vector<16xf32>,
    %get3A_197 = arith.constant 240 : index
    %get3A_198 = tpu.vector_load %arg8[%get3A_197] {strides = array<i32>} : memref<320xf32, #tpu.memory_space<vmem>>, vector<16xf32>,
    %sub3A_199 = arith.subf %get3A_196, %get3A_198 : vector<16xf32>
    %get3A_200 = arith.constant 240 : index
    %get3A_201 = tpu.vector_load %arg11[%get3A_200] {strides = array<i32>} : memref<320xf32, #tpu.memory_space<vmem>>, vector<16xf32>,
    %get3A_202 = arith.constant 240 : index
    %get3A_203 = tpu.vector_load %arg9[%get3A_202] {strides = array<i32>} : memref<320xf32, #tpu.memory_space<vmem>>, vector<16xf32>,
    %sub3A_204 = arith.subf %get3A_201, %get3A_203 : vector<16xf32>
    %mul3A_205 = arith.mulf %sub3A_199, %sub3A_204 : vector<16xf32>
    %swap3A_206 = arith.constant 240 : index
    %swap3A_207 = tpu.vector_load %arg12[%swap3A_206] {strides = array<i32>} : memref<320xf32, #tpu.memory_space<vmem>>, vector<16xf32>,
    tpu.vector_store %arg12[%swap3A_206], %mul3A_205 {strides = array<i32>} : memref<320xf32, #tpu.memory_space<vmem>>, vector<16xf32>,
    %get3A_208 = arith.constant 256 : index
    %get3A_209 = tpu.vector_load %arg10[%get3A_208] {strides = array<i32>} : memref<320xf32, #tpu.memory_space<vmem>>, vector<16xf32>,
    %get3A_210 = arith.constant 256 : index
    %get3A_211 = tpu.vector_load %arg8[%get3A_210] {strides = array<i32>} : memref<320xf32, #tpu.memory_space<vmem>>, vector<16xf32>,
    %sub3A_212 = arith.subf %get3A_209, %get3A_211 : vector<16xf32>
    %get3A_213 = arith.constant 256 : index
    %get3A_214 = tpu.vector_load %arg11[%get3A_213] {strides = array<i32>} : memref<320xf32, #tpu.memory_space<vmem>>, vector<16xf32>,
    %get3A_215 = arith.constant 256 : index
    %get3A_216 = tpu.vector_load %arg9[%get3A_215] {strides = array<i32>} : memref<320xf32, #tpu.memory_space<vmem>>, vector<16xf32>,
    %sub3A_217 = arith.subf %get3A_214, %get3A_216 : vector<16xf32>
    %mul3A_218 = arith.mulf %sub3A_212, %sub3A_217 : vector<16xf32>
    %swap3A_219 = arith.constant 256 : index
    %swap3A_220 = tpu.vector_load %arg12[%swap3A_219] {strides = array<i32>} : memref<320xf32, #tpu.memory_space<vmem>>, vector<16xf32>,
    tpu.vector_store %arg12[%swap3A_219], %mul3A_218 {strides = array<i32>} : memref<320xf32, #tpu.memory_space<vmem>>, vector<16xf32>,
    %get3A_221 = arith.constant 272 : index
    %get3A_222 = tpu.vector_load %arg10[%get3A_221] {strides = array<i32>} : memref<320xf32, #tpu.memory_space<vmem>>, vector<16xf32>,
    %get3A_223 = arith.constant 272 : index
    %get3A_224 = tpu.vector_load %arg8[%get3A_223] {strides = array<i32>} : memref<320xf32, #tpu.memory_space<vmem>>, vector<16xf32>,
    %sub3A_225 = arith.subf %get3A_222, %get3A_224 : vector<16xf32>
    %get3A_226 = arith.constant 272 : index
    %get3A_227 = tpu.vector_load %arg11[%get3A_226] {strides = array<i32>} : memref<320xf32, #tpu.memory_space<vmem>>, vector<16xf32>,
    %get3A_228 = arith.constant 272 : index
    %get3A_229 = tpu.vector_load %arg9[%get3A_228] {strides = array<i32>} : memref<320xf32, #tpu.memory_space<vmem>>, vector<16xf32>,
    %sub3A_230 = arith.subf %get3A_227, %get3A_229 : vector<16xf32>
    %mul3A_231 = arith.mulf %sub3A_225, %sub3A_230 : vector<16xf32>
    %swap3A_232 = arith.constant 272 : index
    %swap3A_233 = tpu.vector_load %arg12[%swap3A_232] {strides = array<i32>} : memref<320xf32, #tpu.memory_space<vmem>>, vector<16xf32>,
    tpu.vector_store %arg12[%swap3A_232], %mul3A_231 {strides = array<i32>} : memref<320xf32, #tpu.memory_space<vmem>>, vector<16xf32>,
    %get3A_234 = arith.constant 288 : index
    %get3A_235 = tpu.vector_load %arg10[%get3A_234] {strides = array<i32>} : memref<320xf32, #tpu.memory_space<vmem>>, vector<16xf32>,
    %get3A_236 = arith.constant 288 : index
    %get3A_237 = tpu.vector_load %arg8[%get3A_236] {strides = array<i32>} : memref<320xf32, #tpu.memory_space<vmem>>, vector<16xf32>,
    %sub3A_238 = arith.subf %get3A_235, %get3A_237 : vector<16xf32>
    %get3A_239 = arith.constant 288 : index
    %get3A_240 = tpu.vector_load %arg11[%get3A_239] {strides = array<i32>} : memref<320xf32, #tpu.memory_space<vmem>>, vector<16xf32>,
    %get3A_241 = arith.constant 288 : index
    %get3A_242 = tpu.vector_load %arg9[%get3A_241] {strides = array<i32>} : memref<320xf32, #tpu.memory_space<vmem>>, vector<16xf32>,
    %sub3A_243 = arith.subf %get3A_240, %get3A_242 : vector<16xf32>
    %mul3A_244 = arith.mulf %sub3A_238, %sub3A_243 : vector<16xf32>
    %swap3A_245 = arith.constant 288 : index
    %swap3A_246 = tpu.vector_load %arg12[%swap3A_245] {strides = array<i32>} : memref<320xf32, #tpu.memory_space<vmem>>, vector<16xf32>,
    tpu.vector_store %arg12[%swap3A_245], %mul3A_244 {strides = array<i32>} : memref<320xf32, #tpu.memory_space<vmem>>, vector<16xf32>,
    %get3A_247 = arith.constant 304 : index
    %get3A_248 = tpu.vector_load %arg10[%get3A_247] {strides = array<i32>} : memref<320xf32, #tpu.memory_space<vmem>>, vector<16xf32>,
    %get3A_249 = arith.constant 304 : index
    %get3A_250 = tpu.vector_load %arg8[%get3A_249] {strides = array<i32>} : memref<320xf32, #tpu.memory_space<vmem>>, vector<16xf32>,
    %sub3A_251 = arith.subf %get3A_248, %get3A_250 : vector<16xf32>
    %get3A_252 = arith.constant 304 : index
    %get3A_253 = tpu.vector_load %arg11[%get3A_252] {strides = array<i32>} : memref<320xf32, #tpu.memory_space<vmem>>, vector<16xf32>,
    %get3A_254 = arith.constant 304 : index
    %get3A_255 = tpu.vector_load %arg9[%get3A_254] {strides = array<i32>} : memref<320xf32, #tpu.memory_space<vmem>>, vector<16xf32>,
    %sub3A_256 = arith.subf %get3A_253, %get3A_255 : vector<16xf32>
    %mul3A_257 = arith.mulf %sub3A_251, %sub3A_256 : vector<16xf32>
    %swap3A_258 = arith.constant 304 : index
    %swap3A_259 = tpu.vector_load %arg12[%swap3A_258] {strides = array<i32>} : memref<320xf32, #tpu.memory_space<vmem>>, vector<16xf32>,
    tpu.vector_store %arg12[%swap3A_258], %mul3A_257 {strides = array<i32>} : memref<320xf32, #tpu.memory_space<vmem>>, vector<16xf32>,
    %broadcast_in_dim3A = arith.constant -2.000000e+00 : f32
    %broadcast_in_dim3A_260 = vector.broadcast %broadcast_in_dim3A : f32 to vector<16xf32>
    %broadcast_in_dim3A_261 = arith.constant 0.000000e+00 : f32
    %broadcast_in_dim3A_262 = vector.broadcast %broadcast_in_dim3A_261 : f32 to vector<16xf32>
    %get3A_263 = arith.constant 0 : index
    %get3A_264 = tpu.vector_load %arg13[%get3A_263] {strides = array<i32>} : memref<320xf32, #tpu.memory_space<vmem>>, vector<16xf32>,
    %gt3A = arith.cmpf ogt, %get3A_264, %broadcast_in_dim3A_260 : vector<16xf32>
    %add3A = arith.constant 0.000000e+00 : f32
    %add3A_265 = vector.broadcast %add3A : f32 to vector<16xf32>
    %add3A_266 = arith.addf %add3A_265, %convert_element_type3A : vector<16xf32>
    %select_n3A = arith.select %gt3A, %add3A_266, %broadcast_in_dim3A_262 : vector<16xi1>, vector<16xf32>
    %select_n3A_267 = arith.select %gt3A, %get3A_264, %broadcast_in_dim3A_260 : vector<16xi1>, vector<16xf32>
    %get3A_268 = arith.constant 16 : index
    %get3A_269 = tpu.vector_load %arg13[%get3A_268] {strides = array<i32>} : memref<320xf32, #tpu.memory_space<vmem>>, vector<16xf32>,
    %gt3A_270 = arith.cmpf ogt, %get3A_269, %select_n3A_267 : vector<16xf32>
    %add3A_271 = arith.constant 1.600000e+01 : f32
    %add3A_272 = vector.broadcast %add3A_271 : f32 to vector<16xf32>
    %add3A_273 = arith.addf %add3A_272, %convert_element_type3A : vector<16xf32>
    %select_n3A_274 = arith.select %gt3A_270, %add3A_273, %select_n3A : vector<16xi1>, vector<16xf32>
    %select_n3A_275 = arith.select %gt3A_270, %get3A_269, %select_n3A_267 : vector<16xi1>, vector<16xf32>
    %get3A_276 = arith.constant 32 : index
    %get3A_277 = tpu.vector_load %arg13[%get3A_276] {strides = array<i32>} : memref<320xf32, #tpu.memory_space<vmem>>, vector<16xf32>,
    %gt3A_278 = arith.cmpf ogt, %get3A_277, %select_n3A_275 : vector<16xf32>
    %add3A_279 = arith.constant 3.200000e+01 : f32
    %add3A_280 = vector.broadcast %add3A_279 : f32 to vector<16xf32>
    %add3A_281 = arith.addf %add3A_280, %convert_element_type3A : vector<16xf32>
    %select_n3A_282 = arith.select %gt3A_278, %add3A_281, %select_n3A_274 : vector<16xi1>, vector<16xf32>
    %select_n3A_283 = arith.select %gt3A_278, %get3A_277, %select_n3A_275 : vector<16xi1>, vector<16xf32>
    %get3A_284 = arith.constant 48 : index
    %get3A_285 = tpu.vector_load %arg13[%get3A_284] {strides = array<i32>} : memref<320xf32, #tpu.memory_space<vmem>>, vector<16xf32>,
    %gt3A_286 = arith.cmpf ogt, %get3A_285, %select_n3A_283 : vector<16xf32>
    %add3A_287 = arith.constant 4.800000e+01 : f32
    %add3A_288 = vector.broadcast %add3A_287 : f32 to vector<16xf32>
    %add3A_289 = arith.addf %add3A_288, %convert_element_type3A : vector<16xf32>
    %select_n3A_290 = arith.select %gt3A_286, %add3A_289, %select_n3A_282 : vector<16xi1>, vector<16xf32>
    %select_n3A_291 = arith.select %gt3A_286, %get3A_285, %select_n3A_283 : vector<16xi1>, vector<16xf32>
    %get3A_292 = arith.constant 64 : index
    %get3A_293 = tpu.vector_load %arg13[%get3A_292] {strides = array<i32>} : memref<320xf32, #tpu.memory_space<vmem>>, vector<16xf32>,
    %gt3A_294 = arith.cmpf ogt, %get3A_293, %select_n3A_291 : vector<16xf32>
    %add3A_295 = arith.constant 6.400000e+01 : f32
    %add3A_296 = vector.broadcast %add3A_295 : f32 to vector<16xf32>
    %add3A_297 = arith.addf %add3A_296, %convert_element_type3A : vector<16xf32>
    %select_n3A_298 = arith.select %gt3A_294, %add3A_297, %select_n3A_290 : vector<16xi1>, vector<16xf32>
    %select_n3A_299 = arith.select %gt3A_294, %get3A_293, %select_n3A_291 : vector<16xi1>, vector<16xf32>
    %get3A_300 = arith.constant 80 : index
    %get3A_301 = tpu.vector_load %arg13[%get3A_300] {strides = array<i32>} : memref<320xf32, #tpu.memory_space<vmem>>, vector<16xf32>,
    %gt3A_302 = arith.cmpf ogt, %get3A_301, %select_n3A_299 : vector<16xf32>
    %add3A_303 = arith.constant 8.000000e+01 : f32
    %add3A_304 = vector.broadcast %add3A_303 : f32 to vector<16xf32>
    %add3A_305 = arith.addf %add3A_304, %convert_element_type3A : vector<16xf32>
    %select_n3A_306 = arith.select %gt3A_302, %add3A_305, %select_n3A_298 : vector<16xi1>, vector<16xf32>
    %select_n3A_307 = arith.select %gt3A_302, %get3A_301, %select_n3A_299 : vector<16xi1>, vector<16xf32>
    %get3A_308 = arith.constant 96 : index
    %get3A_309 = tpu.vector_load %arg13[%get3A_308] {strides = array<i32>} : memref<320xf32, #tpu.memory_space<vmem>>, vector<16xf32>,
    %gt3A_310 = arith.cmpf ogt, %get3A_309, %select_n3A_307 : vector<16xf32>
    %add3A_311 = arith.constant 9.600000e+01 : f32
    %add3A_312 = vector.broadcast %add3A_311 : f32 to vector<16xf32>
    %add3A_313 = arith.addf %add3A_312, %convert_element_type3A : vector<16xf32>
    %select_n3A_314 = arith.select %gt3A_310, %add3A_313, %select_n3A_306 : vector<16xi1>, vector<16xf32>
    %select_n3A_315 = arith.select %gt3A_310, %get3A_309, %select_n3A_307 : vector<16xi1>, vector<16xf32>
    %get3A_316 = arith.constant 112 : index
    %get3A_317 = tpu.vector_load %arg13[%get3A_316] {strides = array<i32>} : memref<320xf32, #tpu.memory_space<vmem>>, vector<16xf32>,
    %gt3A_318 = arith.cmpf ogt, %get3A_317, %select_n3A_315 : vector<16xf32>
    %add3A_319 = arith.constant 1.120000e+02 : f32
    %add3A_320 = vector.broadcast %add3A_319 : f32 to vector<16xf32>
    %add3A_321 = arith.addf %add3A_320, %convert_element_type3A : vector<16xf32>
    %select_n3A_322 = arith.select %gt3A_318, %add3A_321, %select_n3A_314 : vector<16xi1>, vector<16xf32>
    %select_n3A_323 = arith.select %gt3A_318, %get3A_317, %select_n3A_315 : vector<16xi1>, vector<16xf32>
    %get3A_324 = arith.constant 128 : index
    %get3A_325 = tpu.vector_load %arg13[%get3A_324] {strides = array<i32>} : memref<320xf32, #tpu.memory_space<vmem>>, vector<16xf32>,
    %gt3A_326 = arith.cmpf ogt, %get3A_325, %select_n3A_323 : vector<16xf32>
    %add3A_327 = arith.constant 1.280000e+02 : f32
    %add3A_328 = vector.broadcast %add3A_327 : f32 to vector<16xf32>
    %add3A_329 = arith.addf %add3A_328, %convert_element_type3A : vector<16xf32>
    %select_n3A_330 = arith.select %gt3A_326, %add3A_329, %select_n3A_322 : vector<16xi1>, vector<16xf32>
    %select_n3A_331 = arith.select %gt3A_326, %get3A_325, %select_n3A_323 : vector<16xi1>, vector<16xf32>
    %get3A_332 = arith.constant 144 : index
    %get3A_333 = tpu.vector_load %arg13[%get3A_332] {strides = array<i32>} : memref<320xf32, #tpu.memory_space<vmem>>, vector<16xf32>,
    %gt3A_334 = arith.cmpf ogt, %get3A_333, %select_n3A_331 : vector<16xf32>
    %add3A_335 = arith.constant 1.440000e+02 : f32
    %add3A_336 = vector.broadcast %add3A_335 : f32 to vector<16xf32>
    %add3A_337 = arith.addf %add3A_336, %convert_element_type3A : vector<16xf32>
    %select_n3A_338 = arith.select %gt3A_334, %add3A_337, %select_n3A_330 : vector<16xi1>, vector<16xf32>
    %select_n3A_339 = arith.select %gt3A_334, %get3A_333, %select_n3A_331 : vector<16xi1>, vector<16xf32>
    %get3A_340 = arith.constant 160 : index
    %get3A_341 = tpu.vector_load %arg13[%get3A_340] {strides = array<i32>} : memref<320xf32, #tpu.memory_space<vmem>>, vector<16xf32>,
    %gt3A_342 = arith.cmpf ogt, %get3A_341, %select_n3A_339 : vector<16xf32>
    %add3A_343 = arith.constant 1.600000e+02 : f32
    %add3A_344 = vector.broadcast %add3A_343 : f32 to vector<16xf32>
    %add3A_345 = arith.addf %add3A_344, %convert_element_type3A : vector<16xf32>
    %select_n3A_346 = arith.select %gt3A_342, %add3A_345, %select_n3A_338 : vector<16xi1>, vector<16xf32>
    %select_n3A_347 = arith.select %gt3A_342, %get3A_341, %select_n3A_339 : vector<16xi1>, vector<16xf32>
    %get3A_348 = arith.constant 176 : index
    %get3A_349 = tpu.vector_load %arg13[%get3A_348] {strides = array<i32>} : memref<320xf32, #tpu.memory_space<vmem>>, vector<16xf32>,
    %gt3A_350 = arith.cmpf ogt, %get3A_349, %select_n3A_347 : vector<16xf32>
    %add3A_351 = arith.constant 1.760000e+02 : f32
    %add3A_352 = vector.broadcast %add3A_351 : f32 to vector<16xf32>
    %add3A_353 = arith.addf %add3A_352, %convert_element_type3A : vector<16xf32>
    %select_n3A_354 = arith.select %gt3A_350, %add3A_353, %select_n3A_346 : vector<16xi1>, vector<16xf32>
    %select_n3A_355 = arith.select %gt3A_350, %get3A_349, %select_n3A_347 : vector<16xi1>, vector<16xf32>
    %get3A_356 = arith.constant 192 : index
    %get3A_357 = tpu.vector_load %arg13[%get3A_356] {strides = array<i32>} : memref<320xf32, #tpu.memory_space<vmem>>, vector<16xf32>,
    %gt3A_358 = arith.cmpf ogt, %get3A_357, %select_n3A_355 : vector<16xf32>
    %add3A_359 = arith.constant 1.920000e+02 : f32
    %add3A_360 = vector.broadcast %add3A_359 : f32 to vector<16xf32>
    %add3A_361 = arith.addf %add3A_360, %convert_element_type3A : vector<16xf32>
    %select_n3A_362 = arith.select %gt3A_358, %add3A_361, %select_n3A_354 : vector<16xi1>, vector<16xf32>
    %select_n3A_363 = arith.select %gt3A_358, %get3A_357, %select_n3A_355 : vector<16xi1>, vector<16xf32>
    %get3A_364 = arith.constant 208 : index
    %get3A_365 = tpu.vector_load %arg13[%get3A_364] {strides = array<i32>} : memref<320xf32, #tpu.memory_space<vmem>>, vector<16xf32>,
    %gt3A_366 = arith.cmpf ogt, %get3A_365, %select_n3A_363 : vector<16xf32>
    %add3A_367 = arith.constant 2.080000e+02 : f32
    %add3A_368 = vector.broadcast %add3A_367 : f32 to vector<16xf32>
    %add3A_369 = arith.addf %add3A_368, %convert_element_type3A : vector<16xf32>
    %select_n3A_370 = arith.select %gt3A_366, %add3A_369, %select_n3A_362 : vector<16xi1>, vector<16xf32>
    %select_n3A_371 = arith.select %gt3A_366, %get3A_365, %select_n3A_363 : vector<16xi1>, vector<16xf32>
    %get3A_372 = arith.constant 224 : index
    %get3A_373 = tpu.vector_load %arg13[%get3A_372] {strides = array<i32>} : memref<320xf32, #tpu.memory_space<vmem>>, vector<16xf32>,
    %gt3A_374 = arith.cmpf ogt, %get3A_373, %select_n3A_371 : vector<16xf32>
    %add3A_375 = arith.constant 2.240000e+02 : f32
    %add3A_376 = vector.broadcast %add3A_375 : f32 to vector<16xf32>
    %add3A_377 = arith.addf %add3A_376, %convert_element_type3A : vector<16xf32>
    %select_n3A_378 = arith.select %gt3A_374, %add3A_377, %select_n3A_370 : vector<16xi1>, vector<16xf32>
    %select_n3A_379 = arith.select %gt3A_374, %get3A_373, %select_n3A_371 : vector<16xi1>, vector<16xf32>
    %get3A_380 = arith.constant 240 : index
    %get3A_381 = tpu.vector_load %arg13[%get3A_380] {strides = array<i32>} : memref<320xf32, #tpu.memory_space<vmem>>, vector<16xf32>,
    %gt3A_382 = arith.cmpf ogt, %get3A_381, %select_n3A_379 : vector<16xf32>
    %add3A_383 = arith.constant 2.400000e+02 : f32
    %add3A_384 = vector.broadcast %add3A_383 : f32 to vector<16xf32>
    %add3A_385 = arith.addf %add3A_384, %convert_element_type3A : vector<16xf32>
    %select_n3A_386 = arith.select %gt3A_382, %add3A_385, %select_n3A_378 : vector<16xi1>, vector<16xf32>
    %select_n3A_387 = arith.select %gt3A_382, %get3A_381, %select_n3A_379 : vector<16xi1>, vector<16xf32>
    %get3A_388 = arith.constant 256 : index
    %get3A_389 = tpu.vector_load %arg13[%get3A_388] {strides = array<i32>} : memref<320xf32, #tpu.memory_space<vmem>>, vector<16xf32>,
    %gt3A_390 = arith.cmpf ogt, %get3A_389, %select_n3A_387 : vector<16xf32>
    %add3A_391 = arith.constant 2.560000e+02 : f32
    %add3A_392 = vector.broadcast %add3A_391 : f32 to vector<16xf32>
    %add3A_393 = arith.addf %add3A_392, %convert_element_type3A : vector<16xf32>
    %select_n3A_394 = arith.select %gt3A_390, %add3A_393, %select_n3A_386 : vector<16xi1>, vector<16xf32>
    %select_n3A_395 = arith.select %gt3A_390, %get3A_389, %select_n3A_387 : vector<16xi1>, vector<16xf32>
    %get3A_396 = arith.constant 272 : index
    %get3A_397 = tpu.vector_load %arg13[%get3A_396] {strides = array<i32>} : memref<320xf32, #tpu.memory_space<vmem>>, vector<16xf32>,
    %gt3A_398 = arith.cmpf ogt, %get3A_397, %select_n3A_395 : vector<16xf32>
    %add3A_399 = arith.constant 2.720000e+02 : f32
    %add3A_400 = vector.broadcast %add3A_399 : f32 to vector<16xf32>
    %add3A_401 = arith.addf %add3A_400, %convert_element_type3A : vector<16xf32>
    %select_n3A_402 = arith.select %gt3A_398, %add3A_401, %select_n3A_394 : vector<16xi1>, vector<16xf32>
    %select_n3A_403 = arith.select %gt3A_398, %get3A_397, %select_n3A_395 : vector<16xi1>, vector<16xf32>
    %get3A_404 = arith.constant 288 : index
    %get3A_405 = tpu.vector_load %arg13[%get3A_404] {strides = array<i32>} : memref<320xf32, #tpu.memory_space<vmem>>, vector<16xf32>,
    %gt3A_406 = arith.cmpf ogt, %get3A_405, %select_n3A_403 : vector<16xf32>
    %add3A_407 = arith.constant 2.880000e+02 : f32
    %add3A_408 = vector.broadcast %add3A_407 : f32 to vector<16xf32>
    %add3A_409 = arith.addf %add3A_408, %convert_element_type3A : vector<16xf32>
    %select_n3A_410 = arith.select %gt3A_406, %add3A_409, %select_n3A_402 : vector<16xi1>, vector<16xf32>
    %select_n3A_411 = arith.select %gt3A_406, %get3A_405, %select_n3A_403 : vector<16xi1>, vector<16xf32>
    %get3A_412 = arith.constant 304 : index
    %get3A_413 = tpu.vector_load %arg13[%get3A_412] {strides = array<i32>} : memref<320xf32, #tpu.memory_space<vmem>>, vector<16xf32>,
    %gt3A_414 = arith.cmpf ogt, %get3A_413, %select_n3A_411 : vector<16xf32>
    %add3A_415 = arith.constant 3.040000e+02 : f32
    %add3A_416 = vector.broadcast %add3A_415 : f32 to vector<16xf32>
    %add3A_417 = arith.addf %add3A_416, %convert_element_type3A : vector<16xf32>
    %select_n3A_418 = arith.select %gt3A_414, %add3A_417, %select_n3A_410 : vector<16xi1>, vector<16xf32>
    %select_n3A_419 = arith.select %gt3A_414, %get3A_413, %select_n3A_411 : vector<16xi1>, vector<16xf32>
    %reduce_max3A = arith.constant true
    %reduce_max3A_420 = vector.broadcast %reduce_max3A : i1 to vector<16xi1>
    %reduce_max3A_421 = tpu.scan <max>, %select_n3A_419 masked %reduce_max3A_420 : vector<16xf32>, vector<16xi1> -> vector<16xf32>
    %reduce_max3A_422 = vector.extract %reduce_max3A_421[15] : f32 from vector<16xf32>
    %eq3A_423 = vector.broadcast %reduce_max3A_422 : f32 to vector<16xf32>
    %eq3A_424 = arith.cmpf oeq, %select_n3A_419, %eq3A_423 : vector<16xf32>
    %jit3A = arith.constant 9.999900e+04 : f32
    %broadcast_in_dim3A_425 = vector.broadcast %jit3A : f32 to vector<16xf32>
    %select_n3A_426 = arith.select %eq3A_424, %select_n3A_418, %broadcast_in_dim3A_425 : vector<16xi1>, vector<16xf32>
    %reduce_min3A = arith.constant true
    %reduce_min3A_427 = vector.broadcast %reduce_min3A : i1 to vector<16xi1>
    %reduce_min3A_428 = tpu.scan <min>, %select_n3A_426 masked %reduce_min3A_427 : vector<16xf32>, vector<16xi1> -> vector<16xf32>
    %reduce_min3A_429 = vector.extract %reduce_min3A_428[15] : f32 from vector<16xf32>
    %convert_element_type3A_430 = arith.fptosi %reduce_min3A_429 : f32 to i32
    %broadcast_in_dim3A_431 = vector.broadcast %convert_element_type3A_430 : i32 to vector<16xi32>
    %gather3A = tpu.vector_load_idx %arg8[%broadcast_in_dim3A_431] : memref<320xf32, #tpu.memory_space<vmem>>[vector<16xi32>], vector<16xf32>,
    %gather3A_432 = tpu.vector_load_idx %arg9[%broadcast_in_dim3A_431] : memref<320xf32, #tpu.memory_space<vmem>>[vector<16xi32>], vector<16xf32>,
    %gather3A_433 = tpu.vector_load_idx %arg10[%broadcast_in_dim3A_431] : memref<320xf32, #tpu.memory_space<vmem>>[vector<16xi32>], vector<16xf32>,
    %gather3A_434 = tpu.vector_load_idx %arg11[%broadcast_in_dim3A_431] : memref<320xf32, #tpu.memory_space<vmem>>[vector<16xi32>], vector<16xf32>,
    %broadcast_in_dim3A_435 = vector.broadcast %reduce_max3A_422 : f32 to vector<16xf32>
    %eq3A_436 = arith.constant 1 : i32
    %eq3A_437 = vector.broadcast %eq3A_436 : i32 to vector<16xi32>
    %eq3A_438 = arith.cmpi eq, %iota3A, %eq3A_437 : vector<16xi32>
    %broadcast_in_dim3A_439 = vector.broadcast %reduce_min3A_429 : f32 to vector<16xf32>
    %select_n3A_440 = arith.select %eq3A_438, %broadcast_in_dim3A_439, %broadcast_in_dim3A_435 : vector<16xi1>, vector<16xf32>
    %eq3A_441 = arith.constant 2 : i32
    %eq3A_442 = vector.broadcast %eq3A_441 : i32 to vector<16xi32>
    %eq3A_443 = arith.cmpi eq, %iota3A, %eq3A_442 : vector<16xi32>
    %select_n3A_444 = arith.select %eq3A_443, %gather3A, %select_n3A_440 : vector<16xi1>, vector<16xf32>
    %eq3A_445 = arith.constant 3 : i32
    %eq3A_446 = vector.broadcast %eq3A_445 : i32 to vector<16xi32>
    %eq3A_447 = arith.cmpi eq, %iota3A, %eq3A_446 : vector<16xi32>
    %select_n3A_448 = arith.select %eq3A_447, %gather3A_432, %select_n3A_444 : vector<16xi1>, vector<16xf32>
    %eq3A_449 = arith.constant 4 : i32
    %eq3A_450 = vector.broadcast %eq3A_449 : i32 to vector<16xi32>
    %eq3A_451 = arith.cmpi eq, %iota3A, %eq3A_450 : vector<16xi32>
    %select_n3A_452 = arith.select %eq3A_451, %gather3A_433, %select_n3A_448 : vector<16xi1>, vector<16xf32>
    %eq3A_453 = arith.constant 5 : i32
    %eq3A_454 = vector.broadcast %eq3A_453 : i32 to vector<16xi32>
    %eq3A_455 = arith.cmpi eq, %iota3A, %eq3A_454 : vector<16xi32>
    %select_n3A_456 = arith.select %eq3A_455, %gather3A_434, %select_n3A_452 : vector<16xi1>, vector<16xf32>
    %swap3A_457 = arith.constant 0 : index
    %swap3A_458 = tpu.vector_load %arg16[%swap3A_457] {strides = array<i32>} : memref<16xf32, #tpu.memory_space<vmem>>, vector<16xf32>,
    tpu.vector_store %arg16[%swap3A_457], %select_n3A_456 {strides = array<i32>} : memref<16xf32, #tpu.memory_space<vmem>>, vector<16xf32>,
    %scan3A = arith.constant 0 : i32
    %scan3A_459 = arith.constant 0 : i32
    %scan3A_460 = arith.constant 150 : i32
    %scan3A_461 = arith.addi %scan3A_459, %scan3A_460 : i32
    %scan3A_462 = arith.constant 1 : i32
    scf.for %scan3A_470 = %scan3A_459 to %scan3A_461 step %scan3A_462  : i32 {
      %mul3A_471 = arith.constant 2 : i32
      %mul3A_472 = arith.muli %scan3A_470, %mul3A_471 : i32
      %mul3A_473 = arith.constant 16 : i32
      %mul3A_474 = arith.muli %arg1, %mul3A_473 : i32
      %add3A_475 = arith.constant 0 : i32
      %add3A_476 = arith.addi %add3A_475, %mul3A_474 : i32
      "tpu.region"() ({
        %run_scoped3A = tpu.sem_alloc : memref<!tpu.dma_semaphore, #tpu.memory_space<semaphore_mem>>
        %dma_start3A = tpu.memref_slice %arg18[%add3A_476] : memref<512xf32, #tpu.memory_space<vmem_shared>> -> memref<16xf32, #tpu.memory_space<vmem_shared>>
        %dma_start3A_681 = tpu.memref_slice %arg18[%add3A_476] : memref<512xf32, #tpu.memory_space<vmem_shared>> -> memref<16xf32, #tpu.memory_space<vmem_shared>>
        tpu.enqueue_dma source(%arg16 : memref<16xf32, #tpu.memory_space<vmem>>) target(%dma_start3A_681 : memref<16xf32, #tpu.memory_space<vmem_shared>>) target_semaphore(%run_scoped3A : memref<!tpu.dma_semaphore, #tpu.memory_space<semaphore_mem>>)
        %dma_wait3A = tpu.memref_slice %arg18[%add3A_476] : memref<512xf32, #tpu.memory_space<vmem_shared>> -> memref<16xf32, #tpu.memory_space<vmem_shared>>
        %dma_wait3A_682 = tpu.memref_slice %arg18[%add3A_476] : memref<512xf32, #tpu.memory_space<vmem_shared>> -> memref<16xf32, #tpu.memory_space<vmem_shared>>
        tpu.wait_dma2 semaphore(%run_scoped3A : memref<!tpu.dma_semaphore, #tpu.memory_space<semaphore_mem>>) src(%arg16 : memref<16xf32, #tpu.memory_space<vmem>>) dst(%dma_wait3A_682 : memref<16xf32, #tpu.memory_space<vmem_shared>>)
        tpu.yield
      }) : () -> ()
      %barrier3A = arith.constant 0 : index
      tpu.barrier barrier_id(%barrier3A)
      "tpu.region"() ({
        %run_scoped3A = tpu.sem_alloc : memref<!tpu.dma_semaphore, #tpu.memory_space<semaphore_mem>>
        %dma_start3A = arith.constant 0 : i32
        %dma_start3A_681 = tpu.memref_slice %arg18[%dma_start3A] : memref<512xf32, #tpu.memory_space<vmem_shared>> -> memref<256xf32, #tpu.memory_space<vmem_shared>>
        %dma_start3A_682 = arith.constant 0 : i32
        %dma_start3A_683 = tpu.memref_slice %arg18[%dma_start3A_682] : memref<512xf32, #tpu.memory_space<vmem_shared>> -> memref<256xf32, #tpu.memory_space<vmem_shared>>
        tpu.enqueue_dma source(%dma_start3A_683 : memref<256xf32, #tpu.memory_space<vmem_shared>>) target(%arg17 : memref<256xf32, #tpu.memory_space<vmem>>) target_semaphore(%run_scoped3A : memref<!tpu.dma_semaphore, #tpu.memory_space<semaphore_mem>>)
        %dma_wait3A = arith.constant 0 : i32
        %dma_wait3A_684 = tpu.memref_slice %arg18[%dma_wait3A] : memref<512xf32, #tpu.memory_space<vmem_shared>> -> memref<256xf32, #tpu.memory_space<vmem_shared>>
        %dma_wait3A_685 = arith.constant 0 : i32
        %dma_wait3A_686 = tpu.memref_slice %arg18[%dma_wait3A_685] : memref<512xf32, #tpu.memory_space<vmem_shared>> -> memref<256xf32, #tpu.memory_space<vmem_shared>>
        tpu.wait_dma2 semaphore(%run_scoped3A : memref<!tpu.dma_semaphore, #tpu.memory_space<semaphore_mem>>) src(%dma_wait3A_686 : memref<256xf32, #tpu.memory_space<vmem_shared>>) dst(%arg17 : memref<256xf32, #tpu.memory_space<vmem>>)
        tpu.yield
      }) : () -> ()
      %mul3A_477 = arith.constant 16 : i32
      %mul3A_478 = vector.broadcast %mul3A_477 : i32 to vector<16xi32>
      %mul3A_479 = arith.muli %iota3A, %mul3A_478 : vector<16xi32>
      %gather3A_480 = tpu.vector_load_idx %arg17[%mul3A_479] : memref<256xf32, #tpu.memory_space<vmem>>[vector<16xi32>], vector<16xf32>,
      %reduce_max3A_481 = arith.constant true
      %reduce_max3A_482 = vector.broadcast %reduce_max3A_481 : i1 to vector<16xi1>
      %reduce_max3A_483 = tpu.scan <max>, %gather3A_480 masked %reduce_max3A_482 : vector<16xf32>, vector<16xi1> -> vector<16xf32>
      %reduce_max3A_484 = vector.extract %reduce_max3A_483[15] : f32 from vector<16xf32>
      %eq3A_485 = vector.broadcast %reduce_max3A_484 : f32 to vector<16xf32>
      %eq3A_486 = arith.cmpf oeq, %gather3A_480, %eq3A_485 : vector<16xf32>
      %all_reduce_ffs3A = tpu.all_reduce %eq3A_486 {dim = 0 : i64, kind = #tpu.reduction_kind<find_first_set>} : vector<16xi1> -> vector<16xi32>
      %mul3A_487 = arith.constant 16 : i32
      %mul3A_488 = vector.broadcast %mul3A_487 : i32 to vector<16xi32>
      %mul3A_489 = arith.muli %all_reduce_ffs3A, %mul3A_488 : vector<16xi32>
      %add3A_490 = arith.constant 1 : i32
      %add3A_491 = vector.broadcast %add3A_490 : i32 to vector<16xi32>
      %add3A_492 = arith.addi %mul3A_489, %add3A_491 : vector<16xi32>
      %gather3A_493 = tpu.vector_load_idx %arg17[%add3A_492] : memref<256xf32, #tpu.memory_space<vmem>>[vector<16xi32>], vector<16xf32>,
      %add3A_494 = arith.constant 2 : i32
      %add3A_495 = vector.broadcast %add3A_494 : i32 to vector<16xi32>
      %add3A_496 = arith.addi %mul3A_489, %add3A_495 : vector<16xi32>
      %gather3A_497 = tpu.vector_load_idx %arg17[%add3A_496] : memref<256xf32, #tpu.memory_space<vmem>>[vector<16xi32>], vector<16xf32>,
      %add3A_498 = arith.constant 3 : i32
      %add3A_499 = vector.broadcast %add3A_498 : i32 to vector<16xi32>
      %add3A_500 = arith.addi %mul3A_489, %add3A_499 : vector<16xi32>
      %gather3A_501 = tpu.vector_load_idx %arg17[%add3A_500] : memref<256xf32, #tpu.memory_space<vmem>>[vector<16xi32>], vector<16xf32>,
      %add3A_502 = arith.constant 4 : i32
      %add3A_503 = vector.broadcast %add3A_502 : i32 to vector<16xi32>
      %add3A_504 = arith.addi %mul3A_489, %add3A_503 : vector<16xi32>
      %gather3A_505 = tpu.vector_load_idx %arg17[%add3A_504] : memref<256xf32, #tpu.memory_space<vmem>>[vector<16xi32>], vector<16xf32>,
      %add3A_506 = arith.constant 5 : i32
      %add3A_507 = vector.broadcast %add3A_506 : i32 to vector<16xi32>
      %add3A_508 = arith.addi %mul3A_489, %add3A_507 : vector<16xi32>
      %gather3A_509 = tpu.vector_load_idx %arg17[%add3A_508] : memref<256xf32, #tpu.memory_space<vmem>>[vector<16xi32>], vector<16xf32>,
      %sub3A_510 = arith.subf %gather3A_505, %gather3A_497 : vector<16xf32>
      %sub3A_511 = arith.subf %gather3A_509, %gather3A_501 : vector<16xf32>
      %mul3A_512 = arith.mulf %sub3A_510, %sub3A_511 : vector<16xf32>
      %lt3A = arith.constant 1.000000e-03 : f32
      %lt3A_513 = arith.cmpf olt, %reduce_max3A_484, %lt3A : f32
      %jit3A_514 = arith.constant 0.000000e+00 : f32
      %select_n3A_515 = arith.select %lt3A_513, %jit3A_514, %reduce_max3A_484 : f32
      %broadcast_in_dim3A_516 = vector.broadcast %mul3A_472 : i32 to vector<16xi32>
      %broadcast_in_dim3A_517 = vector.broadcast %select_n3A_515 : f32 to vector<16xf32>
      tpu.vector_store_idx %arg15[%broadcast_in_dim3A_516], %broadcast_in_dim3A_517 masked %eq3A_2 : memref<320xf32, #tpu.memory_space<vmem>>[vector<16xi32>], vector<16xf32>, vector<16xi1>
      %convert_element_type3A_518 = arith.fptosi %gather3A_493 : vector<16xf32> to vector<16xi32>
      %broadcast_in_dim3A_519 = arith.constant -1.000000e+00 : f32
      %broadcast_in_dim3A_520 = vector.broadcast %broadcast_in_dim3A_519 : f32 to vector<16xf32>
      %eq3A_521 = vector.broadcast %arg1 : i32 to vector<16xi32>
      %eq3A_522 = arith.cmpi eq, %all_reduce_ffs3A, %eq3A_521 : vector<16xi32>
      %and3A_523 = arith.andi %eq3A_2, %eq3A_522 : vector<16xi1>
      tpu.vector_store_idx %arg13[%convert_element_type3A_518], %broadcast_in_dim3A_520 masked %and3A_523 : memref<320xf32, #tpu.memory_space<vmem>>[vector<16xi32>], vector<16xf32>, vector<16xi1>
      %broadcast_in_dim3A_524 = arith.constant -2.000000e+00 : f32
      %broadcast_in_dim3A_525 = vector.broadcast %broadcast_in_dim3A_524 : f32 to vector<16xf32>
      %broadcast_in_dim3A_526 = arith.constant 0.000000e+00 : f32
      %broadcast_in_dim3A_527 = vector.broadcast %broadcast_in_dim3A_526 : f32 to vector<16xf32>
      %parallel_loop3A = arith.constant 0 : i32
      %parallel_loop3A_528 = arith.constant 320 : i32
      %parallel_loop3A_529 = arith.constant 16 : i32
      %parallel_loop3A_530:2 = scf.for %parallel_loop3A_681 = %parallel_loop3A to %parallel_loop3A_528 step %parallel_loop3A_529 iter_args(%parallel_loop3A_682 = %broadcast_in_dim3A_525, %parallel_loop3A_683 = %broadcast_in_dim3A_527) -> (vector<16xf32>, vector<16xf32>)  : i32 {
        %parallel_loop3A_684 = arith.index_cast %parallel_loop3A_681 : i32 to index
        %parallel_loop3A_685 = tpu.vector_load %arg10[%parallel_loop3A_684] {strides = array<i32>} : memref<320xf32, #tpu.memory_space<vmem>>, vector<16xf32>,
        %parallel_loop3A_686 = arith.minimumf %gather3A_505, %parallel_loop3A_685 : vector<16xf32>
        %parallel_loop3A_687 = arith.index_cast %parallel_loop3A_681 : i32 to index
        %parallel_loop3A_688 = tpu.vector_load %arg8[%parallel_loop3A_687] {strides = array<i32>} : memref<320xf32, #tpu.memory_space<vmem>>, vector<16xf32>,
        %parallel_loop3A_689 = arith.maximumf %gather3A_497, %parallel_loop3A_688 : vector<16xf32>
        %parallel_loop3A_690 = arith.subf %parallel_loop3A_686, %parallel_loop3A_689 : vector<16xf32>
        %parallel_loop3A_691 = arith.constant 0.000000e+00 : f32
        %parallel_loop3A_692 = vector.broadcast %parallel_loop3A_691 : f32 to vector<16xf32>
        %parallel_loop3A_693 = arith.maximumf %parallel_loop3A_690, %parallel_loop3A_692 : vector<16xf32>
        %parallel_loop3A_694 = arith.index_cast %parallel_loop3A_681 : i32 to index
        %parallel_loop3A_695 = tpu.vector_load %arg11[%parallel_loop3A_694] {strides = array<i32>} : memref<320xf32, #tpu.memory_space<vmem>>, vector<16xf32>,
        %parallel_loop3A_696 = arith.minimumf %gather3A_509, %parallel_loop3A_695 : vector<16xf32>
        %parallel_loop3A_697 = arith.index_cast %parallel_loop3A_681 : i32 to index
        %parallel_loop3A_698 = tpu.vector_load %arg9[%parallel_loop3A_697] {strides = array<i32>} : memref<320xf32, #tpu.memory_space<vmem>>, vector<16xf32>,
        %parallel_loop3A_699 = arith.maximumf %gather3A_501, %parallel_loop3A_698 : vector<16xf32>
        %parallel_loop3A_700 = arith.subf %parallel_loop3A_696, %parallel_loop3A_699 : vector<16xf32>
        %parallel_loop3A_701 = arith.constant 0.000000e+00 : f32
        %parallel_loop3A_702 = vector.broadcast %parallel_loop3A_701 : f32 to vector<16xf32>
        %parallel_loop3A_703 = arith.maximumf %parallel_loop3A_700, %parallel_loop3A_702 : vector<16xf32>
        %parallel_loop3A_704 = arith.mulf %parallel_loop3A_693, %parallel_loop3A_703 : vector<16xf32>
        %parallel_loop3A_705 = arith.index_cast %parallel_loop3A_681 : i32 to index
        %parallel_loop3A_706 = tpu.vector_load %arg12[%parallel_loop3A_705] {strides = array<i32>} : memref<320xf32, #tpu.memory_space<vmem>>, vector<16xf32>,
        %parallel_loop3A_707 = arith.addf %mul3A_512, %parallel_loop3A_706 : vector<16xf32>
        %parallel_loop3A_708 = arith.subf %parallel_loop3A_707, %parallel_loop3A_704 : vector<16xf32>
        %parallel_loop3A_709 = arith.constant 9.99999971E-10 : f32
        %parallel_loop3A_710 = vector.broadcast %parallel_loop3A_709 : f32 to vector<16xf32>
        %parallel_loop3A_711 = arith.addf %parallel_loop3A_708, %parallel_loop3A_710 : vector<16xf32>
        %parallel_loop3A_712 = arith.divf %parallel_loop3A_704, %parallel_loop3A_711 : vector<16xf32>
        %parallel_loop3A_713 = arith.mulf %parallel_loop3A_712, %parallel_loop3A_712 : vector<16xf32>
        %parallel_loop3A_714 = arith.constant 0.000000e+00 : f32
        %parallel_loop3A_715 = vector.broadcast %parallel_loop3A_714 : f32 to vector<16xf32>
        %parallel_loop3A_716 = arith.subf %parallel_loop3A_715, %parallel_loop3A_713 : vector<16xf32>
        %parallel_loop3A_717 = arith.constant 5.000000e-01 : f32
        %parallel_loop3A_718 = vector.broadcast %parallel_loop3A_717 : f32 to vector<16xf32>
        %parallel_loop3A_719 = arith.divf %parallel_loop3A_716, %parallel_loop3A_718 : vector<16xf32>
        %parallel_loop3A_720 = math.exp %parallel_loop3A_719 : vector<16xf32>
        %parallel_loop3A_721 = arith.index_cast %parallel_loop3A_681 : i32 to index
        %parallel_loop3A_722 = tpu.vector_load %arg13[%parallel_loop3A_721] {strides = array<i32>} : memref<320xf32, #tpu.memory_space<vmem>>, vector<16xf32>,
        %parallel_loop3A_723 = arith.mulf %parallel_loop3A_722, %parallel_loop3A_720 : vector<16xf32>
        %parallel_loop3A_724 = arith.index_cast %parallel_loop3A_681 : i32 to index
        %parallel_loop3A_725 = tpu.vector_load %arg14[%parallel_loop3A_724] {strides = array<i32>} : memref<320xf32, #tpu.memory_space<vmem>>, vector<16xf32>,
        tpu.vector_store %arg14[%parallel_loop3A_724], %parallel_loop3A_723 {strides = array<i32>} : memref<320xf32, #tpu.memory_space<vmem>>, vector<16xf32>,
        %parallel_loop3A_726 = arith.cmpf ogt, %parallel_loop3A_723, %parallel_loop3A_682 : vector<16xf32>
        %parallel_loop3A_727 = arith.sitofp %parallel_loop3A_681 : i32 to f32
        %parallel_loop3A_728 = vector.broadcast %parallel_loop3A_727 : f32 to vector<16xf32>
        %parallel_loop3A_729 = arith.addf %parallel_loop3A_728, %convert_element_type3A : vector<16xf32>
        %parallel_loop3A_730 = arith.select %parallel_loop3A_726, %parallel_loop3A_729, %parallel_loop3A_683 : vector<16xi1>, vector<16xf32>
        %parallel_loop3A_731 = arith.select %parallel_loop3A_726, %parallel_loop3A_723, %parallel_loop3A_682 : vector<16xi1>, vector<16xf32>
        scf.yield %parallel_loop3A_731, %parallel_loop3A_730 : vector<16xf32>, vector<16xf32>
      } {sc.loop_unroll_factor = 2 : i64, sc.parallel_access}
      %reduce_max3A_531 = arith.constant true
      %reduce_max3A_532 = vector.broadcast %reduce_max3A_531 : i1 to vector<16xi1>
      %reduce_max3A_533 = tpu.scan <max>, %parallel_loop3A_530#0 masked %reduce_max3A_532 : vector<16xf32>, vector<16xi1> -> vector<16xf32>
      %reduce_max3A_534 = vector.extract %reduce_max3A_533[15] : f32 from vector<16xf32>
      %eq3A_535 = vector.broadcast %reduce_max3A_534 : f32 to vector<16xf32>
      %eq3A_536 = arith.cmpf oeq, %parallel_loop3A_530#0, %eq3A_535 : vector<16xf32>
      %jit3A_537 = arith.constant 9.999900e+04 : f32
      %broadcast_in_dim3A_538 = vector.broadcast %jit3A_537 : f32 to vector<16xf32>
      %select_n3A_539 = arith.select %eq3A_536, %parallel_loop3A_530#1, %broadcast_in_dim3A_538 : vector<16xi1>, vector<16xf32>
      %reduce_min3A_540 = arith.constant true
      %reduce_min3A_541 = vector.broadcast %reduce_min3A_540 : i1 to vector<16xi1>
      %reduce_min3A_542 = tpu.scan <min>, %select_n3A_539 masked %reduce_min3A_541 : vector<16xf32>, vector<16xi1> -> vector<16xf32>
      %reduce_min3A_543 = vector.extract %reduce_min3A_542[15] : f32 from vector<16xf32>
      %convert_element_type3A_544 = arith.fptosi %reduce_min3A_543 : f32 to i32
      %broadcast_in_dim3A_545 = vector.broadcast %convert_element_type3A_544 : i32 to vector<16xi32>
      %gather3A_546 = tpu.vector_load_idx %arg8[%broadcast_in_dim3A_545] : memref<320xf32, #tpu.memory_space<vmem>>[vector<16xi32>], vector<16xf32>,
      %gather3A_547 = tpu.vector_load_idx %arg9[%broadcast_in_dim3A_545] : memref<320xf32, #tpu.memory_space<vmem>>[vector<16xi32>], vector<16xf32>,
      %gather3A_548 = tpu.vector_load_idx %arg10[%broadcast_in_dim3A_545] : memref<320xf32, #tpu.memory_space<vmem>>[vector<16xi32>], vector<16xf32>,
      %gather3A_549 = tpu.vector_load_idx %arg11[%broadcast_in_dim3A_545] : memref<320xf32, #tpu.memory_space<vmem>>[vector<16xi32>], vector<16xf32>,
      %broadcast_in_dim3A_550 = vector.broadcast %reduce_max3A_534 : f32 to vector<16xf32>
      %eq3A_551 = arith.constant 1 : i32
      %eq3A_552 = vector.broadcast %eq3A_551 : i32 to vector<16xi32>
      %eq3A_553 = arith.cmpi eq, %iota3A, %eq3A_552 : vector<16xi32>
      %broadcast_in_dim3A_554 = vector.broadcast %reduce_min3A_543 : f32 to vector<16xf32>
      %select_n3A_555 = arith.select %eq3A_553, %broadcast_in_dim3A_554, %broadcast_in_dim3A_550 : vector<16xi1>, vector<16xf32>
      %eq3A_556 = arith.constant 2 : i32
      %eq3A_557 = vector.broadcast %eq3A_556 : i32 to vector<16xi32>
      %eq3A_558 = arith.cmpi eq, %iota3A, %eq3A_557 : vector<16xi32>
      %select_n3A_559 = arith.select %eq3A_558, %gather3A_546, %select_n3A_555 : vector<16xi1>, vector<16xf32>
      %eq3A_560 = arith.constant 3 : i32
      %eq3A_561 = vector.broadcast %eq3A_560 : i32 to vector<16xi32>
      %eq3A_562 = arith.cmpi eq, %iota3A, %eq3A_561 : vector<16xi32>
      %select_n3A_563 = arith.select %eq3A_562, %gather3A_547, %select_n3A_559 : vector<16xi1>, vector<16xf32>
      %eq3A_564 = arith.constant 4 : i32
      %eq3A_565 = vector.broadcast %eq3A_564 : i32 to vector<16xi32>
      %eq3A_566 = arith.cmpi eq, %iota3A, %eq3A_565 : vector<16xi32>
      %select_n3A_567 = arith.select %eq3A_566, %gather3A_548, %select_n3A_563 : vector<16xi1>, vector<16xf32>
      %eq3A_568 = arith.constant 5 : i32
      %eq3A_569 = vector.broadcast %eq3A_568 : i32 to vector<16xi32>
      %eq3A_570 = arith.cmpi eq, %iota3A, %eq3A_569 : vector<16xi32>
      %select_n3A_571 = arith.select %eq3A_570, %gather3A_549, %select_n3A_567 : vector<16xi1>, vector<16xf32>
      %swap3A_572 = arith.constant 0 : index
      %swap3A_573 = tpu.vector_load %arg16[%swap3A_572] {strides = array<i32>} : memref<16xf32, #tpu.memory_space<vmem>>, vector<16xf32>,
      tpu.vector_store %arg16[%swap3A_572], %select_n3A_571 {strides = array<i32>} : memref<16xf32, #tpu.memory_space<vmem>>, vector<16xf32>,
      %add3A_574 = arith.constant 1 : i32
      %add3A_575 = arith.addi %mul3A_472, %add3A_574 : i32
      %mul3A_576 = arith.constant 16 : i32
      %mul3A_577 = arith.muli %arg1, %mul3A_576 : i32
      %add3A_578 = arith.constant 256 : i32
      %add3A_579 = arith.addi %add3A_578, %mul3A_577 : i32
      "tpu.region"() ({
        %run_scoped3A = tpu.sem_alloc : memref<!tpu.dma_semaphore, #tpu.memory_space<semaphore_mem>>
        %dma_start3A = tpu.memref_slice %arg18[%add3A_579] : memref<512xf32, #tpu.memory_space<vmem_shared>> -> memref<16xf32, #tpu.memory_space<vmem_shared>>
        %dma_start3A_681 = tpu.memref_slice %arg18[%add3A_579] : memref<512xf32, #tpu.memory_space<vmem_shared>> -> memref<16xf32, #tpu.memory_space<vmem_shared>>
        tpu.enqueue_dma source(%arg16 : memref<16xf32, #tpu.memory_space<vmem>>) target(%dma_start3A_681 : memref<16xf32, #tpu.memory_space<vmem_shared>>) target_semaphore(%run_scoped3A : memref<!tpu.dma_semaphore, #tpu.memory_space<semaphore_mem>>)
        %dma_wait3A = tpu.memref_slice %arg18[%add3A_579] : memref<512xf32, #tpu.memory_space<vmem_shared>> -> memref<16xf32, #tpu.memory_space<vmem_shared>>
        %dma_wait3A_682 = tpu.memref_slice %arg18[%add3A_579] : memref<512xf32, #tpu.memory_space<vmem_shared>> -> memref<16xf32, #tpu.memory_space<vmem_shared>>
        tpu.wait_dma2 semaphore(%run_scoped3A : memref<!tpu.dma_semaphore, #tpu.memory_space<semaphore_mem>>) src(%arg16 : memref<16xf32, #tpu.memory_space<vmem>>) dst(%dma_wait3A_682 : memref<16xf32, #tpu.memory_space<vmem_shared>>)
        tpu.yield
      }) : () -> ()
      %barrier3A_580 = arith.constant 0 : index
      tpu.barrier barrier_id(%barrier3A_580)
      "tpu.region"() ({
        %run_scoped3A = tpu.sem_alloc : memref<!tpu.dma_semaphore, #tpu.memory_space<semaphore_mem>>
        %dma_start3A = arith.constant 256 : i32
        %dma_start3A_681 = tpu.memref_slice %arg18[%dma_start3A] : memref<512xf32, #tpu.memory_space<vmem_shared>> -> memref<256xf32, #tpu.memory_space<vmem_shared>>
        %dma_start3A_682 = arith.constant 256 : i32
        %dma_start3A_683 = tpu.memref_slice %arg18[%dma_start3A_682] : memref<512xf32, #tpu.memory_space<vmem_shared>> -> memref<256xf32, #tpu.memory_space<vmem_shared>>
        tpu.enqueue_dma source(%dma_start3A_683 : memref<256xf32, #tpu.memory_space<vmem_shared>>) target(%arg17 : memref<256xf32, #tpu.memory_space<vmem>>) target_semaphore(%run_scoped3A : memref<!tpu.dma_semaphore, #tpu.memory_space<semaphore_mem>>)
        %dma_wait3A = arith.constant 256 : i32
        %dma_wait3A_684 = tpu.memref_slice %arg18[%dma_wait3A] : memref<512xf32, #tpu.memory_space<vmem_shared>> -> memref<256xf32, #tpu.memory_space<vmem_shared>>
        %dma_wait3A_685 = arith.constant 256 : i32
        %dma_wait3A_686 = tpu.memref_slice %arg18[%dma_wait3A_685] : memref<512xf32, #tpu.memory_space<vmem_shared>> -> memref<256xf32, #tpu.memory_space<vmem_shared>>
        tpu.wait_dma2 semaphore(%run_scoped3A : memref<!tpu.dma_semaphore, #tpu.memory_space<semaphore_mem>>) src(%dma_wait3A_686 : memref<256xf32, #tpu.memory_space<vmem_shared>>) dst(%arg17 : memref<256xf32, #tpu.memory_space<vmem>>)
        tpu.yield
      }) : () -> ()
      %mul3A_581 = arith.constant 16 : i32
      %mul3A_582 = vector.broadcast %mul3A_581 : i32 to vector<16xi32>
      %mul3A_583 = arith.muli %iota3A, %mul3A_582 : vector<16xi32>
      %gather3A_584 = tpu.vector_load_idx %arg17[%mul3A_583] : memref<256xf32, #tpu.memory_space<vmem>>[vector<16xi32>], vector<16xf32>,
      %reduce_max3A_585 = arith.constant true
      %reduce_max3A_586 = vector.broadcast %reduce_max3A_585 : i1 to vector<16xi1>
      %reduce_max3A_587 = tpu.scan <max>, %gather3A_584 masked %reduce_max3A_586 : vector<16xf32>, vector<16xi1> -> vector<16xf32>
      %reduce_max3A_588 = vector.extract %reduce_max3A_587[15] : f32 from vector<16xf32>
      %eq3A_589 = vector.broadcast %reduce_max3A_588 : f32 to vector<16xf32>
      %eq3A_590 = arith.cmpf oeq, %gather3A_584, %eq3A_589 : vector<16xf32>
      %all_reduce_ffs3A_591 = tpu.all_reduce %eq3A_590 {dim = 0 : i64, kind = #tpu.reduction_kind<find_first_set>} : vector<16xi1> -> vector<16xi32>
      %mul3A_592 = arith.constant 16 : i32
      %mul3A_593 = vector.broadcast %mul3A_592 : i32 to vector<16xi32>
      %mul3A_594 = arith.muli %all_reduce_ffs3A_591, %mul3A_593 : vector<16xi32>
      %add3A_595 = arith.constant 1 : i32
      %add3A_596 = vector.broadcast %add3A_595 : i32 to vector<16xi32>
      %add3A_597 = arith.addi %mul3A_594, %add3A_596 : vector<16xi32>
      %gather3A_598 = tpu.vector_load_idx %arg17[%add3A_597] : memref<256xf32, #tpu.memory_space<vmem>>[vector<16xi32>], vector<16xf32>,
      %add3A_599 = arith.constant 2 : i32
      %add3A_600 = vector.broadcast %add3A_599 : i32 to vector<16xi32>
      %add3A_601 = arith.addi %mul3A_594, %add3A_600 : vector<16xi32>
      %gather3A_602 = tpu.vector_load_idx %arg17[%add3A_601] : memref<256xf32, #tpu.memory_space<vmem>>[vector<16xi32>], vector<16xf32>,
      %add3A_603 = arith.constant 3 : i32
      %add3A_604 = vector.broadcast %add3A_603 : i32 to vector<16xi32>
      %add3A_605 = arith.addi %mul3A_594, %add3A_604 : vector<16xi32>
      %gather3A_606 = tpu.vector_load_idx %arg17[%add3A_605] : memref<256xf32, #tpu.memory_space<vmem>>[vector<16xi32>], vector<16xf32>,
      %add3A_607 = arith.constant 4 : i32
      %add3A_608 = vector.broadcast %add3A_607 : i32 to vector<16xi32>
      %add3A_609 = arith.addi %mul3A_594, %add3A_608 : vector<16xi32>
      %gather3A_610 = tpu.vector_load_idx %arg17[%add3A_609] : memref<256xf32, #tpu.memory_space<vmem>>[vector<16xi32>], vector<16xf32>,
      %add3A_611 = arith.constant 5 : i32
      %add3A_612 = vector.broadcast %add3A_611 : i32 to vector<16xi32>
      %add3A_613 = arith.addi %mul3A_594, %add3A_612 : vector<16xi32>
      %gather3A_614 = tpu.vector_load_idx %arg17[%add3A_613] : memref<256xf32, #tpu.memory_space<vmem>>[vector<16xi32>], vector<16xf32>,
      %sub3A_615 = arith.subf %gather3A_610, %gather3A_602 : vector<16xf32>
      %sub3A_616 = arith.subf %gather3A_614, %gather3A_606 : vector<16xf32>
      %mul3A_617 = arith.mulf %sub3A_615, %sub3A_616 : vector<16xf32>
      %lt3A_618 = arith.constant 1.000000e-03 : f32
      %lt3A_619 = arith.cmpf olt, %reduce_max3A_588, %lt3A_618 : f32
      %jit3A_620 = arith.constant 0.000000e+00 : f32
      %select_n3A_621 = arith.select %lt3A_619, %jit3A_620, %reduce_max3A_588 : f32
      %broadcast_in_dim3A_622 = vector.broadcast %add3A_575 : i32 to vector<16xi32>
      %broadcast_in_dim3A_623 = vector.broadcast %select_n3A_621 : f32 to vector<16xf32>
      tpu.vector_store_idx %arg15[%broadcast_in_dim3A_622], %broadcast_in_dim3A_623 masked %eq3A_2 : memref<320xf32, #tpu.memory_space<vmem>>[vector<16xi32>], vector<16xf32>, vector<16xi1>
      %convert_element_type3A_624 = arith.fptosi %gather3A_598 : vector<16xf32> to vector<16xi32>
      %broadcast_in_dim3A_625 = arith.constant -1.000000e+00 : f32
      %broadcast_in_dim3A_626 = vector.broadcast %broadcast_in_dim3A_625 : f32 to vector<16xf32>
      %eq3A_627 = vector.broadcast %arg1 : i32 to vector<16xi32>
      %eq3A_628 = arith.cmpi eq, %all_reduce_ffs3A_591, %eq3A_627 : vector<16xi32>
      %and3A_629 = arith.andi %eq3A_2, %eq3A_628 : vector<16xi1>
      tpu.vector_store_idx %arg14[%convert_element_type3A_624], %broadcast_in_dim3A_626 masked %and3A_629 : memref<320xf32, #tpu.memory_space<vmem>>[vector<16xi32>], vector<16xf32>, vector<16xi1>
      %broadcast_in_dim3A_630 = arith.constant -2.000000e+00 : f32
      %broadcast_in_dim3A_631 = vector.broadcast %broadcast_in_dim3A_630 : f32 to vector<16xf32>
      %broadcast_in_dim3A_632 = arith.constant 0.000000e+00 : f32
      %broadcast_in_dim3A_633 = vector.broadcast %broadcast_in_dim3A_632 : f32 to vector<16xf32>
      %parallel_loop3A_634 = arith.constant 0 : i32
      %parallel_loop3A_635 = arith.constant 320 : i32
      %parallel_loop3A_636 = arith.constant 16 : i32
      %parallel_loop3A_637:2 = scf.for %parallel_loop3A_681 = %parallel_loop3A_634 to %parallel_loop3A_635 step %parallel_loop3A_636 iter_args(%parallel_loop3A_682 = %broadcast_in_dim3A_631, %parallel_loop3A_683 = %broadcast_in_dim3A_633) -> (vector<16xf32>, vector<16xf32>)  : i32 {
        %parallel_loop3A_684 = arith.index_cast %parallel_loop3A_681 : i32 to index
        %parallel_loop3A_685 = tpu.vector_load %arg10[%parallel_loop3A_684] {strides = array<i32>} : memref<320xf32, #tpu.memory_space<vmem>>, vector<16xf32>,
        %parallel_loop3A_686 = arith.minimumf %gather3A_610, %parallel_loop3A_685 : vector<16xf32>
        %parallel_loop3A_687 = arith.index_cast %parallel_loop3A_681 : i32 to index
        %parallel_loop3A_688 = tpu.vector_load %arg8[%parallel_loop3A_687] {strides = array<i32>} : memref<320xf32, #tpu.memory_space<vmem>>, vector<16xf32>,
        %parallel_loop3A_689 = arith.maximumf %gather3A_602, %parallel_loop3A_688 : vector<16xf32>
        %parallel_loop3A_690 = arith.subf %parallel_loop3A_686, %parallel_loop3A_689 : vector<16xf32>
        %parallel_loop3A_691 = arith.constant 0.000000e+00 : f32
        %parallel_loop3A_692 = vector.broadcast %parallel_loop3A_691 : f32 to vector<16xf32>
        %parallel_loop3A_693 = arith.maximumf %parallel_loop3A_690, %parallel_loop3A_692 : vector<16xf32>
        %parallel_loop3A_694 = arith.index_cast %parallel_loop3A_681 : i32 to index
        %parallel_loop3A_695 = tpu.vector_load %arg11[%parallel_loop3A_694] {strides = array<i32>} : memref<320xf32, #tpu.memory_space<vmem>>, vector<16xf32>,
        %parallel_loop3A_696 = arith.minimumf %gather3A_614, %parallel_loop3A_695 : vector<16xf32>
        %parallel_loop3A_697 = arith.index_cast %parallel_loop3A_681 : i32 to index
        %parallel_loop3A_698 = tpu.vector_load %arg9[%parallel_loop3A_697] {strides = array<i32>} : memref<320xf32, #tpu.memory_space<vmem>>, vector<16xf32>,
        %parallel_loop3A_699 = arith.maximumf %gather3A_606, %parallel_loop3A_698 : vector<16xf32>
        %parallel_loop3A_700 = arith.subf %parallel_loop3A_696, %parallel_loop3A_699 : vector<16xf32>
        %parallel_loop3A_701 = arith.constant 0.000000e+00 : f32
        %parallel_loop3A_702 = vector.broadcast %parallel_loop3A_701 : f32 to vector<16xf32>
        %parallel_loop3A_703 = arith.maximumf %parallel_loop3A_700, %parallel_loop3A_702 : vector<16xf32>
        %parallel_loop3A_704 = arith.mulf %parallel_loop3A_693, %parallel_loop3A_703 : vector<16xf32>
        %parallel_loop3A_705 = arith.index_cast %parallel_loop3A_681 : i32 to index
        %parallel_loop3A_706 = tpu.vector_load %arg12[%parallel_loop3A_705] {strides = array<i32>} : memref<320xf32, #tpu.memory_space<vmem>>, vector<16xf32>,
        %parallel_loop3A_707 = arith.addf %mul3A_617, %parallel_loop3A_706 : vector<16xf32>
        %parallel_loop3A_708 = arith.subf %parallel_loop3A_707, %parallel_loop3A_704 : vector<16xf32>
        %parallel_loop3A_709 = arith.constant 9.99999971E-10 : f32
        %parallel_loop3A_710 = vector.broadcast %parallel_loop3A_709 : f32 to vector<16xf32>
        %parallel_loop3A_711 = arith.addf %parallel_loop3A_708, %parallel_loop3A_710 : vector<16xf32>
        %parallel_loop3A_712 = arith.divf %parallel_loop3A_704, %parallel_loop3A_711 : vector<16xf32>
        %parallel_loop3A_713 = arith.mulf %parallel_loop3A_712, %parallel_loop3A_712 : vector<16xf32>
        %parallel_loop3A_714 = arith.constant 0.000000e+00 : f32
        %parallel_loop3A_715 = vector.broadcast %parallel_loop3A_714 : f32 to vector<16xf32>
        %parallel_loop3A_716 = arith.subf %parallel_loop3A_715, %parallel_loop3A_713 : vector<16xf32>
        %parallel_loop3A_717 = arith.constant 5.000000e-01 : f32
        %parallel_loop3A_718 = vector.broadcast %parallel_loop3A_717 : f32 to vector<16xf32>
        %parallel_loop3A_719 = arith.divf %parallel_loop3A_716, %parallel_loop3A_718 : vector<16xf32>
        %parallel_loop3A_720 = math.exp %parallel_loop3A_719 : vector<16xf32>
        %parallel_loop3A_721 = arith.index_cast %parallel_loop3A_681 : i32 to index
        %parallel_loop3A_722 = tpu.vector_load %arg14[%parallel_loop3A_721] {strides = array<i32>} : memref<320xf32, #tpu.memory_space<vmem>>, vector<16xf32>,
        %parallel_loop3A_723 = arith.mulf %parallel_loop3A_722, %parallel_loop3A_720 : vector<16xf32>
        %parallel_loop3A_724 = arith.index_cast %parallel_loop3A_681 : i32 to index
        %parallel_loop3A_725 = tpu.vector_load %arg13[%parallel_loop3A_724] {strides = array<i32>} : memref<320xf32, #tpu.memory_space<vmem>>, vector<16xf32>,
        tpu.vector_store %arg13[%parallel_loop3A_724], %parallel_loop3A_723 {strides = array<i32>} : memref<320xf32, #tpu.memory_space<vmem>>, vector<16xf32>,
        %parallel_loop3A_726 = arith.cmpf ogt, %parallel_loop3A_723, %parallel_loop3A_682 : vector<16xf32>
        %parallel_loop3A_727 = arith.sitofp %parallel_loop3A_681 : i32 to f32
        %parallel_loop3A_728 = vector.broadcast %parallel_loop3A_727 : f32 to vector<16xf32>
        %parallel_loop3A_729 = arith.addf %parallel_loop3A_728, %convert_element_type3A : vector<16xf32>
        %parallel_loop3A_730 = arith.select %parallel_loop3A_726, %parallel_loop3A_729, %parallel_loop3A_683 : vector<16xi1>, vector<16xf32>
        %parallel_loop3A_731 = arith.select %parallel_loop3A_726, %parallel_loop3A_723, %parallel_loop3A_682 : vector<16xi1>, vector<16xf32>
        scf.yield %parallel_loop3A_731, %parallel_loop3A_730 : vector<16xf32>, vector<16xf32>
      } {sc.loop_unroll_factor = 2 : i64, sc.parallel_access}
      %reduce_max3A_638 = arith.constant true
      %reduce_max3A_639 = vector.broadcast %reduce_max3A_638 : i1 to vector<16xi1>
      %reduce_max3A_640 = tpu.scan <max>, %parallel_loop3A_637#0 masked %reduce_max3A_639 : vector<16xf32>, vector<16xi1> -> vector<16xf32>
      %reduce_max3A_641 = vector.extract %reduce_max3A_640[15] : f32 from vector<16xf32>
      %eq3A_642 = vector.broadcast %reduce_max3A_641 : f32 to vector<16xf32>
      %eq3A_643 = arith.cmpf oeq, %parallel_loop3A_637#0, %eq3A_642 : vector<16xf32>
      %jit3A_644 = arith.constant 9.999900e+04 : f32
      %broadcast_in_dim3A_645 = vector.broadcast %jit3A_644 : f32 to vector<16xf32>
      %select_n3A_646 = arith.select %eq3A_643, %parallel_loop3A_637#1, %broadcast_in_dim3A_645 : vector<16xi1>, vector<16xf32>
      %reduce_min3A_647 = arith.constant true
      %reduce_min3A_648 = vector.broadcast %reduce_min3A_647 : i1 to vector<16xi1>
      %reduce_min3A_649 = tpu.scan <min>, %select_n3A_646 masked %reduce_min3A_648 : vector<16xf32>, vector<16xi1> -> vector<16xf32>
      %reduce_min3A_650 = vector.extract %reduce_min3A_649[15] : f32 from vector<16xf32>
      %convert_element_type3A_651 = arith.fptosi %reduce_min3A_650 : f32 to i32
      %broadcast_in_dim3A_652 = vector.broadcast %convert_element_type3A_651 : i32 to vector<16xi32>
      %gather3A_653 = tpu.vector_load_idx %arg8[%broadcast_in_dim3A_652] : memref<320xf32, #tpu.memory_space<vmem>>[vector<16xi32>], vector<16xf32>,
      %gather3A_654 = tpu.vector_load_idx %arg9[%broadcast_in_dim3A_652] : memref<320xf32, #tpu.memory_space<vmem>>[vector<16xi32>], vector<16xf32>,
      %gather3A_655 = tpu.vector_load_idx %arg10[%broadcast_in_dim3A_652] : memref<320xf32, #tpu.memory_space<vmem>>[vector<16xi32>], vector<16xf32>,
      %gather3A_656 = tpu.vector_load_idx %arg11[%broadcast_in_dim3A_652] : memref<320xf32, #tpu.memory_space<vmem>>[vector<16xi32>], vector<16xf32>,
      %broadcast_in_dim3A_657 = vector.broadcast %reduce_max3A_641 : f32 to vector<16xf32>
      %eq3A_658 = arith.constant 1 : i32
      %eq3A_659 = vector.broadcast %eq3A_658 : i32 to vector<16xi32>
      %eq3A_660 = arith.cmpi eq, %iota3A, %eq3A_659 : vector<16xi32>
      %broadcast_in_dim3A_661 = vector.broadcast %reduce_min3A_650 : f32 to vector<16xf32>
      %select_n3A_662 = arith.select %eq3A_660, %broadcast_in_dim3A_661, %broadcast_in_dim3A_657 : vector<16xi1>, vector<16xf32>
      %eq3A_663 = arith.constant 2 : i32
      %eq3A_664 = vector.broadcast %eq3A_663 : i32 to vector<16xi32>
      %eq3A_665 = arith.cmpi eq, %iota3A, %eq3A_664 : vector<16xi32>
      %select_n3A_666 = arith.select %eq3A_665, %gather3A_653, %select_n3A_662 : vector<16xi1>, vector<16xf32>
      %eq3A_667 = arith.constant 3 : i32
      %eq3A_668 = vector.broadcast %eq3A_667 : i32 to vector<16xi32>
      %eq3A_669 = arith.cmpi eq, %iota3A, %eq3A_668 : vector<16xi32>
      %select_n3A_670 = arith.select %eq3A_669, %gather3A_654, %select_n3A_666 : vector<16xi1>, vector<16xf32>
      %eq3A_671 = arith.constant 4 : i32
      %eq3A_672 = vector.broadcast %eq3A_671 : i32 to vector<16xi32>
      %eq3A_673 = arith.cmpi eq, %iota3A, %eq3A_672 : vector<16xi32>
      %select_n3A_674 = arith.select %eq3A_673, %gather3A_655, %select_n3A_670 : vector<16xi1>, vector<16xf32>
      %eq3A_675 = arith.constant 5 : i32
      %eq3A_676 = vector.broadcast %eq3A_675 : i32 to vector<16xi32>
      %eq3A_677 = arith.cmpi eq, %iota3A, %eq3A_676 : vector<16xi32>
      %select_n3A_678 = arith.select %eq3A_677, %gather3A_656, %select_n3A_674 : vector<16xi1>, vector<16xf32>
      %swap3A_679 = arith.constant 0 : index
      %swap3A_680 = tpu.vector_load %arg16[%swap3A_679] {strides = array<i32>} : memref<16xf32, #tpu.memory_space<vmem>>, vector<16xf32>,
      tpu.vector_store %arg16[%swap3A_679], %select_n3A_678 {strides = array<i32>} : memref<16xf32, #tpu.memory_space<vmem>>, vector<16xf32>,
    }
    %scan3A_463 = arith.constant 150 : i32
    %eq3A_464 = arith.constant 0 : i32
    %eq3A_465 = arith.cmpi eq, %arg0, %eq3A_464 : i32
    %eq3A_466 = arith.constant 0 : i32
    %eq3A_467 = arith.cmpi eq, %arg1, %eq3A_466 : i32
    %and3A = arith.andi %eq3A_465, %eq3A_467 : i1
    %convert_element_type3A_468 = arith.extui %and3A : i1 to i32
    %cond3A = arith.constant 0 : i32
    %cond3A_469 = arith.cmpi ne, %convert_element_type3A_468, %cond3A : i32
    scf.if %cond3A_469 {
      "tpu.region"() ({
        %run_scoped3A = tpu.sem_alloc : memref<!tpu.dma_semaphore, #tpu.memory_space<semaphore_mem>>
        %dma_start3A = arith.constant 0 : i32
        %dma_start3A_470 = tpu.memref_slice %arg15[%dma_start3A] : memref<320xf32, #tpu.memory_space<vmem>> -> memref<300xf32, #tpu.memory_space<vmem>>
        %dma_start3A_471 = arith.constant 0 : i32
        %dma_start3A_472 = tpu.memref_slice %arg15[%dma_start3A_471] : memref<320xf32, #tpu.memory_space<vmem>> -> memref<300xf32, #tpu.memory_space<vmem>>
        tpu.enqueue_dma source(%dma_start3A_472 : memref<300xf32, #tpu.memory_space<vmem>>) target(%arg7 : memref<300xf32, #tpu.memory_space<hbm>>) target_semaphore(%run_scoped3A : memref<!tpu.dma_semaphore, #tpu.memory_space<semaphore_mem>>)
        %dma_wait3A = arith.constant 0 : i32
        %dma_wait3A_473 = tpu.memref_slice %arg15[%dma_wait3A] : memref<320xf32, #tpu.memory_space<vmem>> -> memref<300xf32, #tpu.memory_space<vmem>>
        %dma_wait3A_474 = arith.constant 0 : i32
        %dma_wait3A_475 = tpu.memref_slice %arg15[%dma_wait3A_474] : memref<320xf32, #tpu.memory_space<vmem>> -> memref<300xf32, #tpu.memory_space<vmem>>
        tpu.wait_dma2 semaphore(%run_scoped3A : memref<!tpu.dma_semaphore, #tpu.memory_space<semaphore_mem>>) src(%dma_wait3A_475 : memref<300xf32, #tpu.memory_space<vmem>>) dst(%arg7 : memref<300xf32, #tpu.memory_space<hbm>>)
        tpu.yield
      }) : () -> ()
    } else {
    }
    return
  }
}

</mosaic_0001>

<sc_bundles>
// kernel: kernel.3.cloned.1.call-start
scs
__scs_entry_jumppad:
0x0: {  	(pc) =	sbr.rel $0x88, $3  }
0x1: {  	(tag) =	ssettag $0x0;
	lr =	simm.s32 $0x1  }
0x2: {  	[smem:$0x3F9F] =	sst lr;
	_ =	strace $0xD0000000  }
0x3: {  	_ = 	snop  }
0x4: {  	_ = 	snop  }
0x5: {  	_ = 	snop  }
0x6: {  	_ = 	snop  }
0x7: {  	_ = 	snop  }
__scs_overlays_trampoline_lowered:
0x8: {  	[smem:$0x3FAE] =	sst s0  }
0x9: {  	[smem:$0x3FAF] =	sst s1  }
0xa: {  	[smem:$0x3FB0] =	sst s2  }
0xb: {  	[smem:$0x3FB1] =	sst s3  }
0xc: {  	[smem:$0x3FB2] =	sst s4  }
0xd: {  	[smem:$0x3FB3] =	sst s5  }
0xe: {  	[smem:$0x3FB4] =	sst s6  }
0xf: {  	[smem:$0x3FB5] =	sst s7  }
0x10: {  	[smem:$0x3FB6] =	sst s8  }
0x11: {  	[smem:$0x3FB7] =	sst s9;
	s0 =	simm.s32 @!p0 $0x0  }
0x12: {  	s1 =	sld [smem:$0x3F9D];
	s0 =	simm.s32 @p0 $0x1  }
0x13: {  	[smem:$0x3FB8] =	sst s0;
	s0 =	simm.s32 @!p1 $0x0  }
0x14: {  	s2 =	sld [smem:$0x3F9C];
	s0 =	simm.s32 @p1 $0x1  }
0x15: {  	[smem:$0x3FB9] =	sst s0;
	s0 =	simm.s32 @!p2 $0x0  }
0x16: {  	s3 =	sld [smem:$0x3FDB];
	s0 =	simm.s32 @p2 $0x1  }
0x17: {  	s4 =	simm.s32 $0x1BF5;
	[smem:$0x3FBB] =	sst s0  }
0x18: {  	s0 =	sld [smem:$0x3F9E];
	_ =	swait.ge [sflag:s4], $0x0  }
0x19: {  	s7 =	sld [smem:$0x3F9F]  }
0x1a: {  	s8 =	sadd.s32 $0xFFFFE003, lr  }
0x1b: {  	s9 =	sadd.s32 $0xFFFFFEF7, lr;
	s5 =	simm.s32 $0xFFFFFFFF;
	p2 =	slt.u32 s8, $0xFFFFF086  }
0x1c: {  	p1 =	slt.u32 s9, $0xF7A;
	s5 =	simm.s32 @!p2 $0x0  }
0x1d: {  	s5 =	simm.s32 @p1 $0x1;
	p0 =	seq.s32 s7, s2  }
0x1e: {  	s7 =	smul.u32 @!p0 $0xF7A, s2;
	p2 =	seq.s32 @!p0 s5, $0x0  }
0x1f: {  	s9 =	smul.u32 $0xF7A, s1;
	s8 =	simm.s32 @!p0 $0x1BF5;
	p2 =	por !p2, p0  }
0x20: {  	[sflag:s8] =	ssyncset.s32 @!p0 $0xFFFFF086;
	s6 =	sadd.s32 @!p0 s3, s7;
	s7 =	simm.s32 @!p0 $0x108  }
0x21: {  	s3 =	sadd.s32 s3, s9;
	s6 =	sadd.s32 @!p0 $0x88, s6;
	s7 =	simm.s32 @p2 $0x1082  }
0x22: {  	[simem:s7], [sflag:s8] =	dma.local @!p0 [hbm:s6], $0xF7A  }
0x23: {  	s9 =	sor.u32 $0xD0000000, s2;
	s6 =	simm.s32 $0x108;
	_ =	swait.ge @!p0 [sflag:s8], $0x0  }
0x24: {  	s3 =	sadd.s32 $0x88, s3;
	s6 =	simm.s32 @!p1 $0x1082;
	[sflag:s4] =	ssyncset.s32 $0xFFFFF086  }
0x25: {  	[simem:s6], [sflag:s4] =	dma.local [hbm:s3], $0xF7A  }
0x26: {  	[smem:$0x3F9F] =	sst s1;
	(tag) =	ssettag s2;
	_ =	strace s9  }
0x27: {  	s1 =	sld [smem:$0x3FAF]  }
0x28: {  	s2 =	sld [smem:$0x3FB0]  }
0x29: {  	s4 =	sld [smem:$0x3FB2]  }
0x2a: {  	p0 =	seq.s32 s5, $0x0;
	s5 =	sld [smem:$0x3FB3]  }
0x2b: {  	s6 =	sld [smem:$0x3FB4]  }
0x2c: {  	s7 =	sld [smem:$0x3FB5]  }
0x2d: {  	s3 =	simm.s32 $0x108;
	s8 =	sld [smem:$0x3FB6]  }
0x2e: {  	s3 =	simm.s32 @!p0 $0x1082;
	s9 =	sld [smem:$0x3FB7]  }
0x2f: {  	lr =	sadd.s32 s0, s3;
	s0 =	sld [smem:$0x3FAE]  }
0x30: {  	s3 =	sld [smem:$0x3FB1]  }
0x31: {  	[smem:$0x3FBA] =	sst s10  }
0x32: {  	s10 =	sld [smem:$0x3FB8];
	_ =	sdelay $0x3  }
0x33: {  	p0 =	seq.s32 s10, $0x1;
	s10 =	sld [smem:$0x3FBA];
	_ =	sdelay $0x3  }
0x34: {  	[smem:$0x3FBA] =	sst s10  }
0x35: {  	s10 =	sld [smem:$0x3FB9];
	_ =	sdelay $0x3  }
0x36: {  	p1 =	seq.s32 s10, $0x1;
	s10 =	sld [smem:$0x3FBA];
	_ =	sdelay $0x3  }
0x37: {  	[smem:$0x3FBA] =	sst s10  }
0x38: {  	s10 =	sld [smem:$0x3FBB]  }
0x39: {  	_ = 	snop;
	(pc) =	sbr.ind lr, $3  }
0x3a: {  	_ = 	snop  }
0x3b: {  	_ = 	snop  }
0x3c: {  	p2 =	seq.s32 s10, $0x1;
	s10 =	sld [smem:$0x3FBA]  }
0x3d: {  	_ =	shalt  }
0x3e: {  	_ =	shalt  }
0x3f: {  	_ =	shalt  }
0x40: {  	_ =	shalt  }
0x41: {  	_ =	shalt  }
0x42: {  	_ =	shalt  }
0x43: {  	_ =	shalt  }
0x44: {  	_ =	shalt  }
0x45: {  	_ =	shalt  }
0x46: {  	_ =	shalt  }
0x47: {  	_ =	shalt  }
0x48: {  	_ =	shalt  }
0x49: {  	_ =	shalt  }
0x4a: {  	_ =	shalt  }
0x4b: {  	_ =	shalt  }
0x4c: {  	_ =	shalt  }
0x4d: {  	_ =	shalt  }
0x4e: {  	_ =	shalt  }
0x4f: {  	_ =	shalt  }
0x50: {  	_ =	shalt  }
0x51: {  	_ =	shalt  }
0x52: {  	_ =	shalt  }
0x53: {  	_ =	shalt  }
0x54: {  	_ =	shalt  }
0x55: {  	_ =	shalt  }
0x56: {  	_ =	shalt  }
0x57: {  	_ =	shalt  }
0x58: {  	_ =	shalt  }
0x59: {  	_ =	shalt  }
0x5a: {  	_ =	shalt  }
0x5b: {  	_ =	shalt  }
0x5c: {  	_ =	shalt  }
0x5d: {  	_ =	shalt  }
0x5e: {  	_ =	shalt  }
0x5f: {  	_ =	shalt  }
0x60: {  	_ =	shalt  }
0x61: {  	_ =	shalt  }
0x62: {  	_ =	shalt  }
0x63: {  	_ =	shalt  }
0x64: {  	_ =	shalt  }
0x65: {  	_ =	shalt  }
0x66: {  	_ =	shalt  }
0x67: {  	_ =	shalt  }
0x68: {  	_ =	shalt  }
0x69: {  	_ =	shalt  }
0x6a: {  	_ =	shalt  }
0x6b: {  	_ =	shalt  }
0x6c: {  	_ =	shalt  }
0x6d: {  	_ =	shalt  }
0x6e: {  	_ =	shalt  }
0x6f: {  	_ =	shalt  }
0x70: {  	_ =	shalt  }
0x71: {  	_ =	shalt  }
0x72: {  	_ =	shalt  }
0x73: {  	_ =	shalt  }
0x74: {  	_ =	shalt  }
0x75: {  	_ =	shalt  }
0x76: {  	_ =	shalt  }
0x77: {  	_ =	shalt  }
0x78: {  	_ =	shalt  }
0x79: {  	_ =	shalt  }
0x7a: {  	_ =	shalt  }
0x7b: {  	_ =	shalt  }
0x7c: {  	_ =	shalt  }
0x7d: {  	_ =	shalt  }
0x7e: {  	_ =	shalt  }
0x7f: {  	_ =	shalt  }
0x80: {  	_ =	shalt  }
0x81: {  	_ =	shalt  }
0x82: {  	_ =	shalt  }
0x83: {  	_ =	shalt  }
0x84: {  	_ =	shalt  }
0x85: {  	_ =	shalt  }
0x86: {  	_ =	shalt  }
0x87: {  	_ =	shalt  }
.Lfunc_end0:
.L_simem_size_0:
called_computation_lowered:
.L_overlay_start_0:
0x88: {  	s0 =	sld [smem:$0x3FD9]  }
0x89: {  	s1 =	sld [smem:$0x3FFE];
	_ =	sdelay $0x3  }
0x8a: {  	s0 =	sadd.s32 s1, s0  }
0x8b: {  	[smem:$0x3FC6] =	sst s0  }
0x8c: {  	_ = 	snop  }
0x8d: {  	s0 =	sld [smem:$0x3FD0];
	(tm) =	ssettm $0x1  }
0x8e: {  	s16 =	sld [smem:$0x3FFB];
	_ =	sdelay $0x3  }
0x8f: {  	_ =	strace s16  }
0x90: {  	s1 =	sld [smem:$0x3FFC];
	_ =	sdelay $0x3  }
0x91: {  	_ =	strace s1  }
0x92: {  	s1 =	sld [smem:$0x3FFD];
	_ =	sdelay $0x3  }
0x93: {  	_ =	strace s1  }
0x94: {  	_ =	strace $0x8FFFFFFF  }
0x95: {  	s17 =	sld [smem:$0x3FDB];
	_ =	sdelay $0x1  }
0x96: {  	s2 =	simm.s32 $_scs_section_size  }
0x97: {  	s3 =	simm.s32 $_size__tile_overlayer_lowered;
	s4 =	simm.s32 $_tile_overlayer_lowered  }
0x98: {  	s20 =	simm.s32 $0x1BFF;
	s19 =	sshll.u32 s4, $0x1;
	s1 =	sadd.s32 s2, s17  }
0x99: {  	s5 =	simm.s32 $0x0;
	s18 =	sshll.u32 s3, $0x1;
	s3 =	sadd.s32 s19, s1  }
0x9a: {  	[timem:s5], [sflag:s20] =	dma.local [hbm:s3], s18  }
0x9b: {  	_ =	swait.ge [sflag:s20], s18  }
0x9c: {  	s2 =	ssub.s32 $0x0, s18;
	[sflag:s20] =	ssyncset.done $0x0  }
0x9d: {  	[sflag:s20] =	ssyncadd.s32 s2;
	_ =	sdelay $0x1  }
0x9e: {  	s21 =	simm.s32 $0x1B8B  }
0x9f: {  	_ =	swait.ge [sflag:s21], $0x1  }
0xa0: {  	[sflag:s21] =	ssyncset.done $0x0  }
0xa1: {  	s23 =	simm.s32 $0x1B8E;
	s22 =	sld [smem:$0x3FFE];
	[sflag:s21] =	ssyncadd.s32 $0xFFFFFFFF  }
0xa2: {  	s24 =	simm.s32 $execute0_lowered;
	[smem:$0x3FD2] =	sst s23  }
0xa3: {  	s3 =	sshll.u32 s24, $0x1;
	_ =	strace $0x80000046;
	[dreg:$0x1] =	wrdreg $0xFFFFFFFF  }
0xa4: {  	s25 =	simm.s32 $_size_execute0_lowered;
	s1 =	sadd.s32 s1, s3;
	[dreg:$0x0] =	wrdreg $0x0  }
0xa5: {  	s3 =	sshll.u32 s25, $0x1;
	[dreg:$0x2] =	wrdreg s1  }
0xa6: {  	[dreg:$0x3] =	wrdreg s3  }
0xa7: {  	[dreg:$0x4] =	wrdreg $0xC0  }
0xa8: {  	_ =	task [dreg:s5], $0x5FFFF  }
0xa9: {  	[dreg:$0x1] =	wrdreg $0xFFFFFFFF  }
0xaa: {  	[dreg:$0x0] =	wrdreg $0x60  }
0xab: {  	[dreg:$0x2] =	wrdreg s22  }
0xac: {  	[dreg:$0x3] =	wrdreg s0  }
0xad: {  	[dreg:$0x4] =	wrdreg $0xD800  }
0xae: {  	[dreg:$0x5] =	wrdreg $0x9  }
0xaf: {  	_ =	task.clear_ibuf [dreg:s5], $0x6FFFF;
	_ =	strace $0x90000046  }
0xb0: {  	s26 =	simm.s32 $0x9;
	_ =	strace $0x80000048  }
0xb1: {  	_ =	swait.ge [sflag:s26], $0x1  }
0xb2: {  	[sflag:s26] =	ssyncadd.s32 $0xFFFFFFFF  }
0xb3: {  	_ =	strace $0x90000048  }
0xb4: {  	_ =	sfence  }
0xb5: {  	s28 =	sld [smem:$0x0];
	_ =	sdelay $0x1  }
0xb6: {  	s29 =	srdreg.scid  }
0xb7: {  	s30 =	sshll.u32 s29, $0xD;
	s31 =	sshrl.u32 s29, $0x2  }
0xb8: {  	s2 =	sand.u32 $0x4000, s30;
	s1 =	sand.u32 $0x1, s29;
	s0 =	sadd.s32 s31, s28  }
0xb9: {  	s1 =	sor.u32 s2, s1;
	s0 =	sshll.u32 s0, $0x11  }
0xba: {  	s0 =	sor.u32 s0, s1  }
0xbb: {  	s0 =	sadd.s32 $0x8F2B, s0  }
0xbc: {  	[sflag:s0] =	ssyncadd.remote.s32 $0x1  }
0xbd: {  	_ =	sfence.sel $0xFFFF  }
0xbe: {  	[dreg:$0x0] =	wrdreg $0xFFFFFFFF;
	(pc) =	sbr.abs _section_cstart, $3  }
0xbf: {  	[dreg:$0x1] =	wrdreg $0xFFFFFFFF  }
0xc0: {  	_ =	task.clear_ibuf [dreg:s5], $0x2FFFF;
	_ =	strace $0x9FFFFFFF  }
0xc1: {  	(tm) =	ssettm $0x7FFFFFFF  }
tec
execute0_lowered:
.L_overlay_start_1:
0x0: {  	(tag) =	ssettag $0x1  }
0x1: {  	s5 =	rddreg [dreg:$0x0]  }
0x2: {  	s1 =	rddreg [dreg:$0x1];
	s3 =	simm.s32 $0x0  }
0x3: {  	[smem:$0x7FF] =	sst s3  }
0x4: {  	s2 =	rddreg [dreg:$0x2];
	v0 =	vimm.f32 $5.000000000e-01;
	_ =	strace $0x80000047  }
0x5: {  	(erf) = vrcp.f32 v0;
	_ =	sdelay $0x2  }
0x6: {  	s4 =	stileid.u32  }
0x7: {  	s6 =	smul.u32 $0x28, s4  }
0x8: {  	v1 =	vimm.f32 $1.500000000e+01;
	vm14 =	vcmask $0x300  }
0x9: {  	vm12 =	vcmask $0x704;
	vm10 =	vcmask $0xB08;
	vm4 =	vcmask $0xF0C;
	s9 =	sadd.s32 s6, s5  }
0xa: {  	v2 =	vimm.f32 $3.100000000e+01;
	vm5 =	vcmask $0x1310;
	vm13 =	vcmask $0x1714;
	s5 =	sadd.s32 $0x800, s9  }
0xb: {  	vm11 =	vcmask $0x1B18;
	vm6 =	vcmask $0x1F1C;
	vm7 =	vcmask $0x2320;
	[tilespmem:s3], [sflag:$0x1] =	stream.linear.gather [hbm4b:s5+s3], $0x140, $0x38;
	[tilespmem:$0xDA0] =	vst v63  }
0xc: {  	vm8 =	vcmask $0x2724;
	vm9 =	vcmask $0x2B28;
	vm3 =	vcmask $0x2F2C;
	s5 =	simm.s32 $0x1;
	v0 =	vpop (erf)  }
0xd: {  	vm1 =	vcmask $0x3330;
	vm2 =	vcmask $0x3734;
	vm15 =	vcmask $0x3B38;
	_ =	swait.ge [sflag:s5], $0x140  }
0xe: {  	v7 =	vimm.f32 $4.700000000e+01;
	v14 =	vimm.f32 $1.910000000e+02;
	v48 =	vimm.f32 $2.070000000e+02;
	[sflag:s5] =	ssyncset.done $0x0  }
0xf: {  	v17 =	vimm.f32 $2.230000000e+02;
	v54 =	vimm.f32 $2.390000000e+02;
	v56 =	vimm.f32 $2.550000000e+02;
	s6 =	simm.s32 $0x180;
	s7 =	sadd.s32 $0xC00, s9;
	[sflag:s5] =	ssyncadd.s32 $0xFFFFFEC0  }
0x10: {  	v33 =	vimm.f32 $2.710000000e+02;
	v1 =	vsel vm14, $0x0, v1;
	v2 =	vsel vm14, $0x41800000, v2;
	[tilespmem:s6], [sflag:$0x1] =	stream.linear.gather [hbm4b:s7+s3], $0x140, $0x38;
	[tilespmem:$0xDA0] =	vst v63  }
0x11: {  	v7 =	vsel vm14, $0x42000000, v7;
	v45 =	vsel vm14, $0x43300000, v14;
	v14 =	vsel vm14, $0x43400000, v48;
	_ =	swait.ge [sflag:s5], $0x140  }
0x12: {  	v17 =	vsel vm14, $0x43500000, v17;
	v58 =	vsel vm14, $0x43700000, v56;
	v33 =	vsel vm14, $0x43800000, v33;
	[sflag:s5] =	ssyncset.done $0x0  }
0x13: {  	v1 =	vsel vm12, $0x3F800000, v1;
	v2 =	vsel vm12, $0x41880000, v2;
	v7 =	vsel vm12, $0x42040000, v7;
	s8 =	sadd.s32 $0x1000, s9;
	s7 =	simm.s32 $0x300;
	[sflag:s5] =	ssyncadd.s32 $0xFFFFFEC0  }
0x14: {  	v14 =	vsel vm12, $0x43410000, v14;
	v17 =	vsel vm12, $0x43510000, v17;
	v33 =	vsel vm12, $0x43808000, v33;
	[tilespmem:s7], [sflag:$0x1] =	stream.linear.gather [hbm4b:s8+s3], $0x140, $0x38;
	[tilespmem:$0xDA0] =	vst v63  }
0x15: {  	v1 =	vsel vm10, $0x40000000, v1;
	v2 =	vsel vm10, $0x41900000, v2;
	v16 =	vsel vm10, $0x43420000, v14;
	_ =	swait.ge [sflag:s5], $0x140  }
0x16: {  	v20 =	vsel vm10, $0x43520000, v17;
	v36 =	vsel vm10, $0x43810000, v33;
	v1 =	vsel vm4, $0x40400000, v1;
	[sflag:s5] =	ssyncset.done $0x0  }
0x17: {  	s10 =	sadd.s32 $0x1400, s9;
	v2 =	vsel vm4, $0x41980000, v2;
	v16 =	vsel vm4, $0x43430000, v16;
	v20 =	vsel vm4, $0x43530000, v20;
	s8 =	simm.s32 $0x480;
	[sflag:s5] =	ssyncadd.s32 $0xFFFFFEC0  }
0x18: {  	v36 =	vsel vm4, $0x43818000, v36;
	v1 =	vsel vm5, $0x40800000, v1;
	v2 =	vsel vm5, $0x41A00000, v2;
	[tilespmem:s8], [sflag:$0x1] =	stream.linear.gather [hbm4b:s10+s3], $0x140, $0x38;
	[tilespmem:$0xDA0] =	vst v63  }
0x19: {  	v19 =	vsel vm5, $0x43440000, v16;
	v20 =	vsel vm5, $0x43540000, v20;
	v36 =	vsel vm5, $0x43820000, v36;
	_ =	swait.ge [sflag:s5], $0x140  }
0x1a: {  	v1 =	vsel vm13, $0x40A00000, v1;
	v2 =	vsel vm13, $0x41A80000, v2;
	v19 =	vsel vm13, $0x43450000, v19;
	[sflag:s5] =	ssyncset.done $0x0  }
0x1b: {  	s29 =	sadd.s32 $0x1800, s9;
	s9 =	simm.s32 $0x780;
	v20 =	vsel vm13, $0x43550000, v20;
	v36 =	vsel vm13, $0x43828000, v36;
	v1 =	vsel vm11, $0x40C00000, v1;
	[sflag:s5] =	ssyncadd.s32 $0xFFFFFEC0  }
0x1c: {  	v2 =	vsel vm11, $0x41B00000, v2;
	v19 =	vsel vm11, $0x43460000, v19;
	v27 =	vsel vm11, $0x43560000, v20;
	[tilespmem:s9], [sflag:$0x1] =	stream.linear.gather [hbm4b:s29+s3], $0x140, $0x38;
	[tilespmem:$0xDA0] =	vst v63  }
0x1d: {  	v1 =	vsel vm6, $0x40E00000, v1;
	v2 =	vsel vm6, $0x41B80000, v2;
	v25 =	vsel vm6, $0x43470000, v19;
	_ =	swait.ge [sflag:s5], $0x140  }
0x1e: {  	v27 =	vsel vm6, $0x43570000, v27;
	v1 =	vsel vm7, $0x41000000, v1;
	v2 =	vsel vm7, $0x41C00000, v2;
	[sflag:s5] =	ssyncset.done $0x0  }
0x1f: {  	v25 =	vsel vm7, $0x43480000, v25;
	v27 =	vsel vm7, $0x43580000, v27;
	v1 =	vsel vm8, $0x41100000, v1;
	[sflag:s5] =	ssyncadd.s32 $0xFFFFFEC0  }
0x20: {  	v2 =	vsel vm8, $0x41C80000, v2;
	v25 =	vsel vm8, $0x43490000, v25;
	v27 =	vsel vm8, $0x43590000, v27;
	v3 =	vld [tilespmem:$0x780]  }
0x21: {  	v1 =	vsel vm9, $0x41200000, v1;
	v2 =	vsel vm9, $0x41D00000, v2;
	v25 =	vsel vm9, $0x434A0000, v25  }
0x22: {  	v52 =	vsel vm9, $0x435A0000, v27;
	v1 =	vsel vm3, $0x41300000, v1;
	v2 =	vsel vm3, $0x41D80000, v2;
	v4 =	vld [tilespmem:$0x790]  }
0x23: {  	v25 =	vsel vm3, $0x434B0000, v25;
	v1 =	vsel vm1, $0x41400000, v1;
	v2 =	vsel vm1, $0x41E00000, v2  }
0x24: {  	v25 =	vsel vm1, $0x434C0000, v25;
	v1 =	vsel vm2, $0x41500000, v1;
	v2 =	vsel vm2, $0x41E80000, v2  }
0x25: {  	v51 =	vsel vm2, $0x434D0000, v25;
	v25 =	vsel vm3, $0x435B0000, v52;
	v6 =	vld [tilespmem:$0x7A0];
	vm0 =	vgt.f32 v3, $-2.000000000e+00  }
0x26: {  	v1 =	vsel vm15, $0x41600000, v1;
	v2 =	vsel vm15, $0x41F00000, v2;
	v3 =	vnsel vm0, $0xC0000000, v3  }
0x27: {  	v25 =	vsel vm1, $0x435C0000, v25;
	v5 =	vnsel vm0, $0x0, v1;
	vm0 =	vgt.f32 v4, v3  }
0x28: {  	v2 =	vsel vm0, v2, v5;
	v5 =	vsel vm10, $0x42080000, v7;
	v7 =	vimm.f32 $6.300000000e+01  }
0x29: {  	v3 =	vsel vm0, v4, v3;
	v4 =	vsel vm4, $0x420C0000, v5;
	v5 =	vsel vm14, $0x42400000, v7  }
0x2a: {  	vm0 =	vgt.f32 v6, v3;
	v4 =	vsel vm5, $0x42100000, v4;
	v5 =	vsel vm12, $0x42440000, v5  }
0x2b: {  	v7 =	vimm.f32 $7.900000000e+01;
	v4 =	vsel vm13, $0x42140000, v4;
	v5 =	vsel vm10, $0x42480000, v5  }
0x2c: {  	v7 =	vsel vm14, $0x42800000, v7;
	v4 =	vsel vm11, $0x42180000, v4;
	v5 =	vsel vm4, $0x424C0000, v5  }
0x2d: {  	v7 =	vsel vm12, $0x42820000, v7;
	v4 =	vsel vm6, $0x421C0000, v4;
	v5 =	vsel vm5, $0x42500000, v5  }
0x2e: {  	v7 =	vsel vm10, $0x42840000, v7;
	v4 =	vsel vm7, $0x42200000, v4;
	v5 =	vsel vm13, $0x42540000, v5  }
0x2f: {  	v7 =	vsel vm4, $0x42860000, v7;
	v4 =	vsel vm8, $0x42240000, v4;
	v5 =	vsel vm11, $0x42580000, v5  }
0x30: {  	v7 =	vsel vm5, $0x42880000, v7;
	v4 =	vsel vm9, $0x42280000, v4;
	v5 =	vsel vm6, $0x425C0000, v5  }
0x31: {  	v7 =	vsel vm13, $0x428A0000, v7;
	v4 =	vsel vm3, $0x422C0000, v4;
	v5 =	vsel vm7, $0x42600000, v5  }
0x32: {  	v8 =	vld [tilespmem:$0x7B0];
	v7 =	vsel vm11, $0x428C0000, v7;
	v4 =	vsel vm1, $0x42300000, v4;
	v5 =	vsel vm8, $0x42640000, v5  }
0x33: {  	v7 =	vsel vm6, $0x428E0000, v7;
	v4 =	vsel vm2, $0x42340000, v4;
	v5 =	vsel vm9, $0x42680000, v5  }
0x34: {  	v7 =	vsel vm7, $0x42900000, v7;
	v4 =	vsel vm15, $0x42380000, v4;
	v5 =	vsel vm3, $0x426C0000, v5  }
0x35: {  	v7 =	vsel vm8, $0x42920000, v7;
	v2 =	vsel vm0, v4, v2;
	v4 =	vsel vm1, $0x42700000, v5;
	v5 =	vld [tilespmem:$0x7C0]  }
0x36: {  	v3 =	vsel vm0, v6, v3;
	v6 =	vsel vm9, $0x42940000, v7;
	v4 =	vsel vm2, $0x42740000, v4  }
0x37: {  	vm0 =	vgt.f32 v8, v3;
	v6 =	vsel vm3, $0x42960000, v6;
	v4 =	vsel vm15, $0x42780000, v4  }
0x38: {  	v7 =	vimm.f32 $9.500000000e+01;
	v2 =	vsel vm0, v4, v2;
	v4 =	vsel vm1, $0x42980000, v6  }
0x39: {  	v7 =	vsel vm14, $0x42A00000, v7;
	v3 =	vsel vm0, v8, v3;
	v6 =	vld [tilespmem:$0x7D0];
	v4 =	vsel vm2, $0x429A0000, v4  }
0x3a: {  	v7 =	vsel vm12, $0x42A20000, v7;
	vm0 =	vgt.f32 v5, v3;
	v4 =	vsel vm15, $0x429C0000, v4  }
0x3b: {  	v2 =	vsel vm0, v4, v2;
	v4 =	vsel vm10, $0x42A40000, v7;
	v7 =	vimm.f32 $1.110000000e+02  }
0x3c: {  	v3 =	vsel vm0, v5, v3;
	v4 =	vsel vm4, $0x42A60000, v4;
	v5 =	vsel vm14, $0x42C00000, v7  }
0x3d: {  	v7 =	vimm.f32 $1.270000000e+02;
	v4 =	vsel vm5, $0x42A80000, v4;
	v5 =	vsel vm12, $0x42C20000, v5  }
0x3e: {  	vm0 =	vgt.f32 v6, v3;
	v4 =	vsel vm13, $0x42AA0000, v4;
	v5 =	vsel vm10, $0x42C40000, v5  }
0x3f: {  	v7 =	vsel vm14, $0x42E00000, v7;
	v4 =	vsel vm11, $0x42AC0000, v4;
	v5 =	vsel vm4, $0x42C60000, v5  }
0x40: {  	v7 =	vsel vm12, $0x42E20000, v7;
	v4 =	vsel vm6, $0x42AE0000, v4;
	v5 =	vsel vm5, $0x42C80000, v5  }
0x41: {  	v7 =	vsel vm10, $0x42E40000, v7;
	v4 =	vsel vm7, $0x42B00000, v4;
	v5 =	vsel vm13, $0x42CA0000, v5  }
0x42: {  	v7 =	vsel vm4, $0x42E60000, v7;
	v4 =	vsel vm8, $0x42B20000, v4;
	v5 =	vsel vm11, $0x42CC0000, v5  }
0x43: {  	v7 =	vsel vm5, $0x42E80000, v7;
	v4 =	vsel vm9, $0x42B40000, v4;
	v5 =	vsel vm6, $0x42CE0000, v5  }
0x44: {  	v7 =	vsel vm13, $0x42EA0000, v7;
	v4 =	vsel vm3, $0x42B60000, v4;
	v5 =	vsel vm7, $0x42D00000, v5  }
0x45: {  	v41 =	vld [tilespmem:$0x7E0];
	v7 =	vsel vm11, $0x42EC0000, v7;
	v4 =	vsel vm1, $0x42B80000, v4;
	v5 =	vsel vm8, $0x42D20000, v5  }
0x46: {  	v7 =	vsel vm6, $0x42EE0000, v7;
	v4 =	vsel vm2, $0x42BA0000, v4;
	v5 =	vsel vm9, $0x42D40000, v5  }
0x47: {  	v10 =	vld [tilespmem:$0x810];
	v7 =	vsel vm7, $0x42F00000, v7;
	v4 =	vsel vm15, $0x42BC0000, v4;
	v5 =	vsel vm3, $0x42D60000, v5  }
0x48: {  	v7 =	vsel vm8, $0x42F20000, v7;
	v2 =	vsel vm0, v4, v2;
	v4 =	vsel vm1, $0x42D80000, v5;
	v5 =	vld [tilespmem:$0x7F0]  }
0x49: {  	v13 =	vld [tilespmem:$0x820];
	v3 =	vsel vm0, v6, v3;
	v6 =	vsel vm9, $0x42F40000, v7;
	v4 =	vsel vm2, $0x42DA0000, v4  }
0x4a: {  	v23 =	vld [tilespmem:$0x830];
	vm0 =	vgt.f32 v41, v3;
	v6 =	vsel vm3, $0x42F60000, v6;
	v4 =	vsel vm15, $0x42DC0000, v4  }
0x4b: {  	v55 =	vsel vm2, $0x435D0000, v25;
	v16 =	vld [tilespmem:$0x4B0];
	v2 =	vsel vm0, v4, v2;
	v4 =	vsel vm1, $0x42F80000, v6  }
0x4c: {  	v7 =	vld [tilespmem:$0x800];
	v3 =	vsel vm0, v41, v3;
	v6 =	vimm.f32 $1.430000000e+02;
	v4 =	vsel vm2, $0x42FA0000, v4  }
0x4d: {  	v17 =	vld [tilespmem:$0x1B0];
	v6 =	vsel vm14, $0x43000000, v6;
	vm0 =	vgt.f32 v5, v3;
	v4 =	vsel vm15, $0x42FC0000, v4  }
0x4e: {  	v31 =	vsel vm15, $0x435E0000, v55;
	v19 =	vld [tilespmem:$0x40];
	v6 =	vsel vm12, $0x43010000, v6;
	v42 =	vsel vm0, v4, v2  }
0x4f: {  	v26 =	vld [tilespmem:$0x840];
	v2 =	vsel vm10, $0x43020000, v6;
	v4 =	vimm.f32 $1.590000000e+02;
	v9 =	vsel vm0, v5, v3  }
0x50: {  	v20 =	vld [tilespmem:$0x4C0];
	v2 =	vsel vm4, $0x43030000, v2;
	v3 =	vsel vm14, $0x43100000, v4;
	v4 =	vimm.f32 $1.750000000e+02  }
0x51: {  	v29 =	vld [tilespmem:$0x850];
	vm0 =	vgt.f32 v7, v9;
	v2 =	vsel vm5, $0x43040000, v2;
	v4 =	vsel vm14, $0x43200000, v4  }
0x52: {  	v38 =	vld [tilespmem:$0x860];
	v3 =	vsel vm12, $0x43110000, v3;
	v9 =	vsel vm0, v7, v9;
	v4 =	vsel vm12, $0x43210000, v4  }
0x53: {  	v25 =	vld [tilespmem:$0x1D0];
	v2 =	vsel vm13, $0x43050000, v2;
	v3 =	vsel vm10, $0x43120000, v3;
	v4 =	vsel vm10, $0x43220000, v4  }
0x54: {  	v27 =	vld [tilespmem:$0x60];
	v2 =	vsel vm11, $0x43060000, v2;
	v3 =	vsel vm4, $0x43130000, v3;
	v4 =	vsel vm4, $0x43230000, v4  }
0x55: {  	v33 =	vld [tilespmem:$0x1F0];
	v2 =	vsel vm6, $0x43070000, v2;
	v3 =	vsel vm5, $0x43140000, v3;
	v4 =	vsel vm5, $0x43240000, v4  }
0x56: {  	v60 =	vld [tilespmem:$0x890];
	v2 =	vsel vm7, $0x43080000, v2;
	v3 =	vsel vm13, $0x43150000, v3;
	v4 =	vsel vm13, $0x43250000, v4  }
0x57: {  	v63 =	vld [tilespmem:$0x8A0];
	v5 =	vsel vm8, $0x43090000, v2;
	v3 =	vsel vm11, $0x43160000, v3;
	v11 =	vsel vm11, $0x43260000, v4  }
0x58: {  	v48 =	vld [tilespmem:$0xA0];
	v5 =	vsel vm9, $0x430A0000, v5;
	v6 =	vsel vm6, $0x43170000, v3;
	v11 =	vsel vm6, $0x43270000, v11  }
0x59: {  	v2 =	vld [tilespmem:$0x300];
	v5 =	vsel vm3, $0x430B0000, v5;
	v6 =	vsel vm7, $0x43180000, v6;
	v11 =	vsel vm7, $0x43280000, v11  }
0x5a: {  	v3 =	vld [tilespmem:$0x0];
	v5 =	vsel vm1, $0x430C0000, v5;
	v6 =	vsel vm8, $0x43190000, v6;
	v11 =	vsel vm8, $0x43290000, v11  }
0x5b: {  	v14 =	vld [tilespmem:$0x8B0];
	v12 =	vsel vm2, $0x430D0000, v5;
	v6 =	vsel vm9, $0x431A0000, v6;
	v11 =	vsel vm9, $0x432A0000, v11  }
0x5c: {  	v52 =	vld [tilespmem:$0x3B0];
	v12 =	vsel vm15, $0x430E0000, v12;
	v6 =	vsel vm3, $0x431B0000, v6;
	v11 =	vsel vm3, $0x432B0000, v11  }
0x5d: {  	v55 =	vld [tilespmem:$0x3C0];
	v8 =	vsel vm0, v12, v42;
	v43 =	vsel vm1, $0x431C0000, v6;
	v11 =	vsel vm1, $0x432C0000, v11  }
0x5e: {  	v4 =	vld [tilespmem:$0x480];
	vm0 =	vgt.f32 v10, v9;
	v44 =	vsel vm2, $0x432D0000, v11;
	v11 =	vsel vm12, $0x43310000, v45  }
0x5f: {  	v5 =	vld [tilespmem:$0x180];
	v3 =	vsub.f32 v2, v3;
	v12 =	vsel vm2, $0x431D0000, v43;
	v47 =	vsel vm10, $0x43320000, v11  }
0x60: {  	v56 =	vld [tilespmem:$0xC0];
	v15 =	vsel vm0, v10, v9;
	v12 =	vsel vm15, $0x431E0000, v12;
	v49 =	vsel vm4, $0x43330000, v47  }
0x61: {  	v7 =	vld [tilespmem:$0x10];
	v12 =	vsel vm0, v12, v8;
	vm0 =	vgt.f32 v13, v15;
	v50 =	vsel vm5, $0x43340000, v49  }
0x62: {  	v6 =	vld [tilespmem:$0x310];
	v43 =	vsel vm11, $0x43830000, v36;
	v24 =	vsel vm0, v13, v15;
	v15 =	vsel vm13, $0x43350000, v50  }
0x63: {  	v42 =	vld [tilespmem:$0x870];
	v43 =	vsel vm6, $0x43838000, v43;
	v46 =	vsel vm15, $0x432E0000, v44;
	v18 =	vsel vm11, $0x43360000, v15  }
0x64: {  	v9 =	vld [tilespmem:$0x190];
	v43 =	vsel vm7, $0x43840000, v43;
	v2 =	vsub.f32 v4, v5;
	v18 =	vsel vm6, $0x43370000, v18  }
0x65: {  	v10 =	vld [tilespmem:$0x320];
	v22 =	vsel vm0, v46, v12;
	v43 =	vsel vm8, $0x43848000, v43;
	v18 =	vsel vm7, $0x43380000, v18  }
0x66: {  	v36 =	vld [tilespmem:$0x500];
	v47 =	vimm.f32 $2.870000000e+02;
	v12 =	vimm.f32 $3.030000000e+02;
	v21 =	vsel vm8, $0x43390000, v18  }
0x67: {  	v45 =	vld [tilespmem:$0x880];
	vm0 =	vgt.f32 v23, v24;
	v43 =	vsel vm9, $0x43850000, v43;
	v21 =	vsel vm9, $0x433A0000, v21  }
0x68: {  	v11 =	vld [tilespmem:$0x20];
	v47 =	vsel vm14, $0x43880000, v47;
	v49 =	vimm.f32 $3.190000000e+02;
	v21 =	vsel vm3, $0x433B0000, v21  }
0x69: {  	v13 =	vld [tilespmem:$0x1A0];
	v2 =	vmul.f32 v2, v3;
	v30 =	vsel vm0, v23, v24;
	v21 =	vsel vm1, $0x433C0000, v21  }
0x6a: {  	[tilespmem:$0x1FFC0] =	vst v6;
	v6 =	vld [tilespmem:$0x490];
	v24 =	vsel vm15, $0x434E0000, v51;
	v43 =	vsel vm3, $0x43858000, v43;
	v28 =	vsel vm2, $0x433D0000, v21  }
0x6b: {  	v23 =	vld [tilespmem:$0x50];
	v47 =	vsel vm12, $0x43888000, v47;
	v49 =	vsel vm14, $0x43980000, v49;
	v28 =	vsel vm15, $0x433E0000, v28  }
0x6c: {  	v4 =	vld [tilespmem:$0x1FFC0];
	v62 =	vsel vm1, $0x43860000, v43;
	v28 =	vsel vm0, v28, v22;
	vm0 =	vgt.f32 v26, v30  }
0x6d: {  	v50 =	vld [tilespmem:$0x520];
	v47 =	vsel vm10, $0x43890000, v47;
	v53 =	vsel vm0, v24, v28;
	v28 =	vsel vm14, $0x43600000, v54  }
0x6e: {  	v51 =	vld [tilespmem:$0x220];
	v49 =	vsel vm12, $0x43988000, v49;
	v30 =	vsel vm0, v26, v30;
	v28 =	vsel vm12, $0x43610000, v28  }
0x6f: {  	v15 =	vld [tilespmem:$0x30];
	v8 =	vsel vm2, $0x43868000, v62;
	vm0 =	vgt.f32 v29, v30;
	v28 =	vsel vm10, $0x43620000, v28  }
0x70: {  	[tilespmem:$0x1FFD0] =	vst v6;
	v6 =	vld [tilespmem:$0x4A0];
	v40 =	vsel vm0, v29, v30;
	v30 =	vsel vm12, $0x43710000, v58;
	v57 =	vsel vm4, $0x43630000, v28  }
0x71: {  	v7 =	vsub.f32 v4, v7;
	v4 =	vld [tilespmem:$0x1FFD0];
	v32 =	vsel vm10, $0x43720000, v30;
	v59 =	vsel vm5, $0x43640000, v57  }
0x72: {  	v62 =	vld [tilespmem:$0x250];
	v39 =	vsel vm0, v31, v53;
	v32 =	vsel vm4, $0x43730000, v32;
	v31 =	vsel vm13, $0x43650000, v59  }
0x73: {  	v10 =	vsub.f32 v10, v11;
	v11 =	vld [tilespmem:$0x100];
	v35 =	vsel vm5, $0x43740000, v32;
	v34 =	vsel vm11, $0x43660000, v31  }
0x74: {  	v47 =	vsel vm4, $0x43898000, v47;
	v18 =	vld [tilespmem:$0x340];
	v35 =	vsel vm13, $0x43750000, v35;
	v34 =	vsel vm6, $0x43670000, v34  }
0x75: {  	v49 =	vsel vm10, $0x43990000, v49;
	v21 =	vld [tilespmem:$0x1C0];
	v35 =	vsel vm11, $0x43760000, v35;
	v34 =	vsel vm7, $0x43680000, v34  }
0x76: {  	[tilespmem:$0x1FFE0] =	vst v6;
	v6 =	vld [tilespmem:$0x330];
	v9 =	vsub.f32 v4, v9;
	v41 =	vsel vm6, $0x43770000, v35;
	v37 =	vsel vm8, $0x43690000, v34  }
0x77: {  	v47 =	vsel vm5, $0x438A0000, v47;
	v22 =	vld [tilespmem:$0x350];
	v41 =	vsel vm7, $0x43780000, v41;
	v37 =	vsel vm9, $0x436A0000, v37  }
0x78: {  	v5 =	vld [tilespmem:$0x1FFE0];
	v7 =	vmul.f32 v9, v7;
	v41 =	vsel vm8, $0x43790000, v41;
	v37 =	vsel vm3, $0x436B0000, v37  }
0x79: {  	v24 =	vld [tilespmem:$0x4D0];
	v9 =	vsub.f32 v18, v19;
	v41 =	vsel vm9, $0x437A0000, v41;
	v37 =	vsel vm1, $0x436C0000, v37  }
0x7a: {  	v26 =	vld [tilespmem:$0x360];
	vm0 =	vgt.f32 v38, v40;
	v41 =	vsel vm3, $0x437B0000, v41;
	v37 =	vsel vm2, $0x436D0000, v37  }
0x7b: {  	v54 =	vld [tilespmem:$0x530];
	v40 =	vsel vm0, v38, v40;
	v41 =	vsel vm1, $0x437C0000, v41;
	v44 =	vsel vm15, $0x436E0000, v37  }
0x7c: {  	v18 =	vld [tilespmem:$0x410];
	v41 =	vsel vm2, $0x437D0000, v41;
	v39 =	vsel vm0, v44, v39;
	vm0 =	vgt.f32 v42, v40  }
0x7d: {  	v49 =	vsel vm4, $0x43998000, v49;
	v19 =	vld [tilespmem:$0x110];
	v41 =	vsel vm15, $0x437E0000, v41;
	v61 =	vsel vm0, v42, v40  }
0x7e: {  	v47 =	vsel vm13, $0x438A8000, v47;
	v29 =	vld [tilespmem:$0x1E0];
	v46 =	vsel vm0, v41, v39;
	vm0 =	vgt.f32 v45, v61  }
0x7f: {  	v49 =	vsel vm5, $0x439A0000, v49;
	v47 =	vsel vm11, $0x438B0000, v47;
	v53 =	vld [tilespmem:$0xB0];
	v45 =	vsel vm0, v45, v61  }
0x80: {  	v49 =	vsel vm13, $0x439A8000, v49;
	v58 =	vld [tilespmem:$0x240];
	v42 =	vsel vm15, $0x43870000, v8;
	vm15 =	vgt.f32 v60, v45  }
0x81: {  	v47 =	vsel vm6, $0x438B8000, v47;
	v28 =	vld [tilespmem:$0x4E0];
	v44 =	vsel vm15, v60, v45;
	v45 =	vsel vm14, $0x43900000, v12  }
0x82: {  	v49 =	vsel vm11, $0x439B0000, v49;
	v47 =	vsel vm7, $0x438C0000, v47;
	v30 =	vld [tilespmem:$0x370];
	v45 =	vsel vm12, $0x43908000, v45  }
0x83: {  	v49 =	vsel vm6, $0x439B8000, v49;
	v47 =	vsel vm8, $0x438C8000, v47;
	[tilespmem:$0x1FFF0] =	vst v6;
	v6 =	vld [tilespmem:$0x270];
	v45 =	vsel vm10, $0x43910000, v45  }
0x84: {  	v38 =	vld [tilespmem:$0x390];
	v46 =	vsel vm0, v42, v46;
	vm0 =	vgt.f32 v63, v44;
	v45 =	vsel vm4, $0x43918000, v45  }
0x85: {  	v49 =	vsel vm7, $0x439C0000, v49;
	v57 =	vld [tilespmem:$0x540];
	v43 =	vsel vm0, v63, v44;
	v45 =	vsel vm5, $0x43920000, v45  }
0x86: {  	v13 =	vsub.f32 v5, v13;
	v5 =	vld [tilespmem:$0x580];
	vm4 =	vgt.f32 v14, v43;
	v45 =	vsel vm13, $0x43928000, v45  }
0x87: {  	v49 =	vsel vm8, $0x439C8000, v49;
	v3 =	vld [tilespmem:$0x1FFF0];
	v43 =	vsel vm4, v14, v43;
	v45 =	vsel vm11, $0x43930000, v45  }
0x88: {  	v47 =	vsel vm9, $0x438D0000, v47;
	v49 =	vsel vm9, $0x439D0000, v49;
	v32 =	vld [tilespmem:$0x4F0];
	(xrf0) =	vmax.scan.msk.f32 $0xffff, v43;
	v45 =	vsel vm6, $0x43938000, v45  }
0x89: {  	v47 =	vsel vm3, $0x438D8000, v47;
	v49 =	vsel vm3, $0x439D8000, v49;
	v59 =	vld [tilespmem:$0x3D0];
	v45 =	vsel vm7, $0x43940000, v45  }
0x8a: {  	v47 =	vsel vm1, $0x438E0000, v47;
	v49 =	vsel vm1, $0x439E0000, v49;
	v31 =	vld [tilespmem:$0x70];
	v45 =	vsel vm8, $0x43948000, v45  }
0x8b: {  	v47 =	vsel vm2, $0x438E8000, v47;
	v49 =	vsel vm2, $0x439E8000, v49;
	v35 =	vld [tilespmem:$0x80];
	v45 =	vsel vm9, $0x43950000, v45  }
0x8c: {  	v34 =	vld [tilespmem:$0x380];
	v3 =	vsub.f32 v3, v15;
	v15 =	vsub.f32 v16, v17;
	v45 =	vsel vm3, $0x43958000, v45  }
0x8d: {  	v16 =	vld [tilespmem:$0x280];
	v17 =	vsub.f32 v20, v21;
	vm3 =	vcmask $0x3B38;
	v45 =	vsel vm1, $0x43960000, v45  }
0x8e: {  	v20 =	vld [tilespmem:$0x590];
	v32 =	vsub.f32 v32, v33;
	v61, _, _ =	vpop (xrf0);
	v47 =	vsel vm3, $0x438F0000, v47;
	v45 =	vsel vm2, $0x43968000, v45  }
0x8f: {  	v33 =	vld [tilespmem:$0x290];
	v61 =	vbroadcast v61, $0xF;
	v46 =	vsel vm15, v47, v46;
	v45 =	vsel vm3, $0x43970000, v45  }
0x90: {  	v37 =	vld [tilespmem:$0x200];
	v49 =	vsel vm3, $0x439F0000, v49;
	v45 =	vsel vm0, v45, v46  }
0x91: {  	v39 =	vld [tilespmem:$0x90];
	vm0 =	veq.f32 v43, v61;
	v45 =	vsel vm4, v49, v45  }
0x92: {  	v40 =	vld [tilespmem:$0x510];
	v45 =	vnsel vm0, $0x47C34F80, v45  }
0x93: {  	v41 =	vld [tilespmem:$0x210];
	(xrf0) =	vmin.scan.msk.f32 $0xffff, v45  }
0x94: {  	v8 =	vld [tilespmem:$0x400]  }
0x95: {  	[tilespmem:$0x600] =	vst v2;
	v2 =	vmul.f32 v13, v10;
	v42 =	vld [tilespmem:$0x3A0]  }
0x96: {  	[tilespmem:$0x610] =	vst v7;
	v34 =	vsub.f32 v34, v35;
	v35 =	vsub.f32 v36, v37;
	v36 =	vld [tilespmem:$0x420]  }
0x97: {  	v7 =	vsub.f32 v26, v27;
	v29 =	vsub.f32 v28, v29;
	[tilespmem:$0x620] =	vst v2;
	v2 =	vmul.f32 v17, v9;
	v60 =	vld [tilespmem:$0xD0]  }
0x98: {  	v12 =	vld [tilespmem:$0xF0]  }
0x99: {  	[tilespmem:$0x640] =	vst v2;
	v2 =	vmul.f32 v29, v7;
	v7 =	vsub.f32 v38, v39;
	v38 =	vld [tilespmem:$0x120];
	v4, _, _ =	vpop (xrf0)  }
0x9a: {  	v37 =	vsub.f32 v40, v41;
	v41 =	vld [tilespmem:$0x5A0];
	(v2sf) =	vpush v4, $0xF  }
0x9b: {  	v40 =	vsub.f32 v50, v51;
	v51 =	vld [tilespmem:$0x430]  }
0x9c: {  	v44 =	vld [tilespmem:$0x230]  }
0x9d: {  	v63 =	vld [tilespmem:$0xE0]  }
0x9e: {  	v25 =	vsub.f32 v24, v25;
	v10 =	vsub.f32 v22, v23;
	v3 =	vmul.f32 v15, v3;
	v14 =	vld [tilespmem:$0x570]  }
0x9f: {  	v47 =	vld [tilespmem:$0x550]  }
0xa0: {  	v31 =	vsub.f32 v30, v31;
	[tilespmem:$0x630] =	vst v3;
	v3 =	vmul.f32 v25, v10;
	v46 =	vld [tilespmem:$0x3E0]  }
0xa1: {  	v43 =	vld [tilespmem:$0x560]  }
0xa2: {  	[tilespmem:$0x650] =	vst v3;
	v3 =	vmul.f32 v32, v31;
	v49 =	vld [tilespmem:$0x260]  }
0xa3: {  	[tilespmem:$0x660] =	vst v2;
	v2 =	vmul.f32 v35, v34;
	v50 =	vsub.f32 v57, v58;
	v39 =	vsub.f32 v42, v48;
	v45 =	vld [tilespmem:$0x3F0]  }
0xa4: {  	[tilespmem:$0x670] =	vst v3;
	v57 =	vld [tilespmem:$0x5B0];
	v42 =	vsub.f32 v52, v53;
	v3 =	vmul.f32 v37, v7;
	v44 =	vsub.f32 v54, v44  }
0xa5: {  	v5 =	vsub.f32 v5, v16;
	v58 =	vld [tilespmem:$0x2B0];
	v7 =	vsub.f32 v55, v56;
	[tilespmem:$0x680] =	vst v2;
	v2 =	vmul.f32 v40, v39  }
0xa6: {  	v48 =	vld [tilespmem:$0x2A0];
	v52 =	vsub.f32 v59, v60;
	[tilespmem:$0x690] =	vst v3;
	v3 =	vmul.f32 v44, v42;
	v53 =	vsub.f32 v47, v62  }
0xa7: {  	v54 =	vld [tilespmem:$0x130];
	[tilespmem:$0x6A0] =	vst v2;
	v2 =	vmul.f32 v50, v7;
	v55 =	vsub.f32 v46, v63;
	v56 =	vsub.f32 v43, v49  }
0xa8: {  	v6 =	vsub.f32 v14, v6;
	[tilespmem:$0x6B0] =	vst v3;
	v3 =	vmul.f32 v53, v52;
	v7 =	vsub.f32 v45, v12  }
0xa9: {  	v8 =	vsub.f32 v8, v11;
	v59 =	vsub.f32 v18, v19;
	[tilespmem:$0x6C0] =	vst v2;
	v2 =	vmul.f32 v56, v55;
	s30 =	spop (v2sf)  }
0xaa: {  	v60 =	vsub.f32 v20, v33;
	v62 =	vsub.f32 v57, v58;
	[tilespmem:$0x6D0] =	vst v3;
	v3 =	vmul.f32 v6, v7;
	s10 =	scvt.f32.s32 s30  }
0xab: {  	v5 =	vmul.f32 v5, v8;
	[tilespmem:$0x6E0] =	vst v2;
	v6 =	vsub.f32 v36, v38;
	v7 =	vsub.f32 v41, v48  }
0xac: {  	v2 =	vmul.f32 v60, v59;
	[tilespmem:$0x6F0] =	vst v3;
	v3 =	vsub.f32 v51, v54;
	v63 =	vmov s10  }
0xad: {  	[tilespmem:$0x700] =	vst v5;
	v5 =	vmul.f32 v7, v6  }
0xae: {  	[tilespmem:$0x710] =	vst v2;
	v2 =	vmul.f32 v62, v3  }
0xaf: {  	[tilespmem:$0x720] =	vst v5  }
0xb0: {  	[tilespmem:$0x730] =	vst v2  }
0xb1: {  	v2 =	vld.idx.msk [tilespmem:v63+s3+$0x0], $0xffff  }
0xb2: {  	v3 =	vld.idx.msk [tilespmem:v63+s6+$0x0], $0xffff  }
0xb3: {  	v4 =	vbroadcast v4, $0xF;
	v5 =	vld.idx.msk [tilespmem:v63+s7+$0x0], $0xffff  }
0xb4: {  	vm0 =	vcmask $0x318;
	v6 =	vld.idx.msk [tilespmem:v63+s8+$0x0], $0xffff  }
0xb5: {  	vm1 =	vcmask $0x718;
	v4 =	vsel vm0, v61, v4  }
0xb6: {  	vm2 =	vcmask $0xB18;
	v2 =	vsel vm1, v4, v2  }
0xb7: {  	vm3 =	vcmask $0xF18;
	v2 =	vsel vm2, v2, v3  }
0xb8: {  	s13 =	simm.s32 $0xC00;
	s14 =	simm.s32 $0xC80;
	s31 =	sshll.u32 s4, $0x4;
	vm4 =	vcmask $0x1318;
	v2 =	vsel vm3, v2, v5  }
0xb9: {  	s15 =	simm.s32 $0xA80;
	s16 =	simm.s32 $0x900;
	s10 =	sadd.s32 s31, s2;
	v4 =	vlaneseq.u32;
	v3 =	vsel vm4, v2, v6  }
0xba: {  	s17 =	simm.s32 $0x0;
	s12 =	sadd.s32 $0x100, s2;
	s11 =	sadd.s32 $0x100, s10;
	v2 =	vmov s4;
	[tilespmem:$0xC00] =	vst v3;
	v3 =	vmul.u32 $0x10, v4;
	v4 =	vimm.f32 $-1.000000000e+00  }
.LBB2_1:
0xbb: {  	[spmem:s10] =	stream.linear.scatter [tilespmem:s13], [sflag:$0x1], $0x10, $0x38;
	[tilespmem:$0xDA0] =	vst v63  }
0xbc: {  	_ =	swait.ge [sflag:s5], $0x10  }
0xbd: {  	[sflag:s5] =	ssyncset.done $0x0  }
0xbe: {  	[sflag:s5] =	ssyncadd.s32 $0xFFFFFFF0  }
0xbf: {  	[bflag:$0x0] =	sbarrier.arrive $0xFFFF  }
0xc0: {  	[tilespmem:s14], [sflag:$0x1] =	stream.linear.gather [spmem:s2], $0x100, $0x38;
	[tilespmem:$0xDA0] =	vst v63  }
0xc1: {  	_ =	swait.ge [sflag:s5], $0x100  }
0xc2: {  	[sflag:s5] =	ssyncset.done $0x0  }
0xc3: {  	[sflag:s5] =	ssyncadd.s32 $0xFFFFFF00  }
0xc4: {  	v5 =	vld.idx.msk [tilespmem:v3+s14+$0x0], $0xffff;
	_ =	sdelay $0x4  }
0xc5: {  	(xrf0) =	vmax.scan.msk.f32 $0xffff, v5;
	_ =	sdelay $0x5  }
0xc6: {  	v6, _, _ =	vpop (xrf0)  }
0xc7: {  	v7 =	vbroadcast v6, $0xF;
	_ =	sdelay $0x1  }
0xc8: {  	(v2sf) =	vpush v6, $0xF;
	vm5 =	veq.f32 v5, v7  }
0xc9: {  	v5 =	vmctz.xlane vm5;
	_ =	sdelay $0x1  }
0xca: {  	v6 =	vshll.u32 v5, $0x4  }
0xcb: {  	v7 =	vor.u32 $0x1, v6;
	_ =	sdelay $0x4  }
0xcc: {  	v7 =	vld.idx.msk [tilespmem:v7+s14+$0x0], $0xffff  }
0xcd: {  	s18 =	sshll.u32 s17, $0x1  }
0xce: {  	v10 =	vmov s18  }
0xcf: {  	v10 =	vbroadcast v10, $0x0;
	v9 =	vor.u32 $0x3, v6  }
0xd0: {  	vm5 =	vmmov $0x1;
	vm6 =	veq.s32 v5, v2;
	v12 =	vor.u32 $0x5, v6  }
0xd1: {  	v8 =	vor.u32 $0x2, v6;
	v11 =	vor.u32 $0x4, v6;
	v6 =	vtrunc.f32 v7  }
0xd2: {  	vm6 =	vmand vm6, vm5;
	s19 =	spop (v2sf);
	v13 =	vcvt.f32.s32 v6  }
0xd3: {  	p0 =	slt.f32 s19, $1.000000050e-03  }
0xd4: {  	v5 =	vld.idx.msk [tilespmem:v9+s14+$0x0], $0xffff  }
0xd5: {  	v7 =	vld.idx.msk [tilespmem:v12+s14+$0x0], $0xffff;
	s19 =	simm.s32 @p0 $0x0  }
0xd6: {  	v6 =	vld.idx.msk [tilespmem:v8+s14+$0x0], $0xffff;
	v9 =	vmov s19  }
0xd7: {  	v8 =	vld.idx.msk [tilespmem:v11+s14+$0x0], $0xffff;
	[tilespmem:v10+s15+$0x0] =	vst.idx.msk $0x1, v9  }
0xd8: {  	s21 =	simm.s32 $0x310;
	[tilespmem:v13+s9+$0x0] =	vst.idx.msk vm6, v4  }
0xd9: {  	s20 =	simm.s32 $0x10;
	v10 =	vld [tilespmem:s21+$0x0]  }
0xda: {  	v11 =	vld [tilespmem:s20+$0x0]  }
0xdb: {  	v12 =	vld [tilespmem:s21+$0xFFFFFFF0]  }
0xdc: {  	s22 =	simm.s32 $0x490;
	v13 =	vld [tilespmem:s20+$0xFFFFFFF0]  }
0xdd: {  	s23 =	simm.s32 $0x190;
	v14 =	vld [tilespmem:s22+$0xFFFFFFF0]  }
0xde: {  	v15 =	vld [tilespmem:s23+$0xFFFFFFF0]  }
0xdf: {  	v16 =	vld [tilespmem:s22+$0x0]  }
0xe0: {  	v17 =	vsub.f32 v7, v5;
	v9 =	vsub.f32 v8, v6;
	v18 =	vld [tilespmem:s23+$0x0];
	_ =	sdelay $0x1  }
0xe1: {  	s24 =	simm.s32 $0x610;
	v9 =	vmul.f32 v17, v9;
	v10 =	vmin.f32 v8, v10;
	v12 =	vmin.f32 v8, v12  }
0xe2: {  	v17 =	vld [tilespmem:s24+$0xFFFFFFF0];
	v13 =	vmax.f32 v6, v13;
	v14 =	vmin.f32 v7, v14;
	v15 =	vmax.f32 v5, v15  }
0xe3: {  	v19 =	vld [tilespmem:s24+$0x0];
	v11 =	vmax.f32 v6, v11;
	v12 =	vsub.f32 v12, v13;
	v13 =	vsub.f32 v14, v15  }
0xe4: {  	v10 =	vsub.f32 v10, v11;
	v11 =	vmin.f32 v7, v16;
	v14 =	vmax.f32 v5, v18  }
0xe5: {  	v11 =	vsub.f32 v11, v14  }
0xe6: {  	s25 =	simm.s32 $0x330;
	v12 =	vmax.f32 v12, $0.0e+00;
	v13 =	vmax.f32 v13, $0.0e+00;
	v10 =	vmax.f32 v10, $0.0e+00  }
0xe7: {  	s31 =	simm.s32 $0x4B0;
	v16 =	vld [tilespmem:s25+$0xFFFFFFF0];
	v12 =	vmul.f32 v13, v12;
	v13 =	vadd.f32 v17, v9;
	v11 =	vmax.f32 v11, $0.0e+00  }
0xe8: {  	v15 =	vadd.f32 v19, v9;
	v18 =	vld [tilespmem:s31+$0xFFFFFFF0];
	v10 =	vmul.f32 v11, v10  }
0xe9: {  	v19 =	vld [tilespmem:s31+$0x0];
	v13 =	vsub.f32 v13, v12  }
0xea: {  	s26 =	simm.s32 $0x30;
	v14 =	vld [tilespmem:s25+$0x0];
	v15 =	vsub.f32 v15, v10  }
0xeb: {  	v17 =	vld [tilespmem:s26+$0xFFFFFFF0];
	v13 =	vadd.f32 $9.999999710e-10, v13  }
0xec: {  	s0 =	simm.s32 $0x1B0;
	v11 =	vld [tilespmem:s26+$0x0];
	v15 =	vadd.f32 $9.999999710e-10, v15  }
0xed: {  	(erf) = vrcp.f32 v13;
	v13 =	vld [tilespmem:s0+$0xFFFFFFF0]  }
0xee: {  	(erf) = vrcp.f32 v15;
	v15 =	vld [tilespmem:s0+$0x0];
	_ =	sdelay $0x1  }
0xef: {  	s21 =	simm.s32 $0x630;
	v16 =	vmin.f32 v8, v16;
	v18 =	vmin.f32 v7, v18  }
0xf0: {  	v20 =	vld [tilespmem:s21+$0xFFFFFFF0];
	v14 =	vmin.f32 v8, v14;
	v17 =	vmax.f32 v6, v17;
	v11 =	vmax.f32 v6, v11  }
0xf1: {  	v21 =	vld [tilespmem:s21+$0x0];
	v16 =	vsub.f32 v16, v17;
	v11 =	vsub.f32 v14, v11;
	v13 =	vmax.f32 v5, v13  }
0xf2: {  	v14 =	vmin.f32 v7, v19;
	v13 =	vsub.f32 v18, v13;
	v15 =	vmax.f32 v5, v15  }
0xf3: {  	v14 =	vsub.f32 v14, v15  }
0xf4: {  	v16 =	vmax.f32 v16, $0.0e+00;
	v11 =	vmax.f32 v11, $0.0e+00;
	v13 =	vmax.f32 v13, $0.0e+00  }
0xf5: {  	v15 =	vpop (erf);
	v13 =	vmul.f32 v13, v16;
	v16 =	vadd.f32 v20, v9;
	v14 =	vmax.f32 v14, $0.0e+00  }
0xf6: {  	s25 =	simm.s32 $0x1D0;
	v17 =	vadd.f32 v21, v9;
	v12 =	vmul.f32 v15, v12;
	v18 =	vpop (erf);
	v14 =	vmul.f32 v14, v11  }
0xf7: {  	s23 =	simm.s32 $0x50;
	v22 =	vld [tilespmem:s25+$0x0];
	v11 =	vsub.f32 v16, v13;
	v10 =	vmul.f32 v18, v10  }
0xf8: {  	s22 =	simm.s32 $0x350;
	v19 =	vld [tilespmem:s23+$0xFFFFFFF0];
	v12 =	vmul.f32 v12, v12;
	v17 =	vsub.f32 v17, v14  }
0xf9: {  	v15 =	vld [tilespmem:s22+$0x0];
	v11 =	vadd.f32 $9.999999710e-10, v11;
	v10 =	vmul.f32 v10, v10  }
0xfa: {  	v16 =	vld [tilespmem:s23+$0x0];
	v12 =	vsub.f32 $0.0e+00, v12;
	v17 =	vadd.f32 $9.999999710e-10, v17  }
0xfb: {  	s24 =	simm.s32 $0x4D0;
	v18 =	vld [tilespmem:s22+$0xFFFFFFF0];
	(erf) = vrcp.f32 v11;
	v10 =	vsub.f32 $0.0e+00, v10  }
0xfc: {  	v20 =	vld [tilespmem:s24+$0xFFFFFFF0];
	v12 =	vmul.f32 v12, v0;
	(erf) = vrcp.f32 v17  }
0xfd: {  	v11 =	vld [tilespmem:s25+$0xFFFFFFF0];
	v10 =	vmul.f32 v10, v0  }
0xfe: {  	v21 =	vld [tilespmem:s24+$0x0];
	v12 =	vmul.f32 $1.442695020e+00, v12  }
0xff: {  	v15 =	vmin.f32 v8, v15;
	v10 =	vmul.f32 $1.442695020e+00, v10  }
0x100: {  	s24 =	simm.s32 $0x650;
	v16 =	vmax.f32 v6, v16;
	v18 =	vmin.f32 v8, v18;
	(erf) = vpow2.f32 v12  }
0x101: {  	v24 =	vld [tilespmem:s24+$0xFFFFFFF0];
	(erf) = vpow2.f32 v10;
	v10 =	vsub.f32 v15, v16;
	v16 =	vmax.f32 v5, v22  }
0x102: {  	v23 =	vld [tilespmem:s24+$0x0];
	v12 =	vmax.f32 v6, v19;
	v19 =	vmin.f32 v7, v20;
	v11 =	vmax.f32 v5, v11  }
0x103: {  	v12 =	vsub.f32 v18, v12;
	v11 =	vsub.f32 v19, v11;
	v15 =	vmin.f32 v7, v21  }
0x104: {  	v25 =	vimm.f32 $0.0e+00;
	s21 =	simm.s32 $0x790;
	v15 =	vsub.f32 v15, v16;
	v16 =	vpop (erf)  }
0x105: {  	s25 =	simm.s32 $0x370;
	v20 =	vld [tilespmem:s21+$0xFFFFFFF0];
	v12 =	vmax.f32 v12, $0.0e+00;
	v11 =	vmax.f32 v11, $0.0e+00;
	v13 =	vmul.f32 v16, v13;
	v16 =	vpop (erf)  }
0x106: {  	s26 =	simm.s32 $0x10;
	v21 =	vld [tilespmem:s25+$0x0];
	v12 =	vmul.f32 v11, v12;
	v11 =	vadd.f32 v24, v9;
	v14 =	vmul.f32 v16, v14  }
0x107: {  	s31 =	scvt.s32.f32 s3;
	s19 =	scvt.s32.f32 s26;
	v19 =	vadd.f32 v23, v9;
	v10 =	vmax.f32 v10, $0.0e+00;
	v15 =	vmax.f32 v15, $0.0e+00  }
0x108: {  	v23 =	vld [tilespmem:s21+$0x0];
	v22 =	vsub.f32 v11, v12;
	v11 =	vmul.f32 v15, v10;
	v14 =	vmul.f32 v14, v14  }
0x109: {  	v26 =	vadd.f32 s31, v1;
	s26 =	simm.s32 $0x70;
	v18 =	vld [tilespmem:s25+$0xFFFFFFF0];
	v10 =	vadd.f32 s19, v1;
	v13 =	vmul.f32 v13, v13  }
0x10a: {  	v17 =	vimm.f32 $-2.000000000e+00;
	v15 =	vld [tilespmem:s26+$0x0];
	v22 =	vadd.f32 $9.999999710e-10, v22;
	v24 =	vsub.f32 v19, v11;
	v27 =	vpop (erf)  }
0x10b: {  	s28 =	simm.s32 $0x4F0;
	v16 =	vmin.f32 v8, v21;
	v19 =	vld [tilespmem:s26+$0xFFFFFFF0];
	v13 =	vsub.f32 $0.0e+00, v13;
	v27 =	vmul.f32 v27, v20  }
0x10c: {  	s29 =	simm.s32 $0x1F0;
	v20 =	vld [tilespmem:s28+$0xFFFFFFF0];
	v28 =	vadd.f32 $9.999999710e-10, v24;
	(erf) = vrcp.f32 v22;
	v21 =	vsub.f32 $0.0e+00, v14;
	v14 =	vpop (erf)  }
0x10d: {  	s30 =	simm.s32 $0x80;
	s19 =	simm.s32 $0x910;
	v22 =	vld [tilespmem:s29+$0xFFFFFFF0];
	v24 =	vmul.f32 v13, v0;
	vm6 =	vgt.f32 v27, v17;
	v13 =	vmul.f32 v14, v23  }
0x10e: {  	s20 =	simm.s32 $0x60;
	s22 =	simm.s32 $0x20;
	s23 =	simm.s32 $0x40;
	[tilespmem:s19+$0xFFFFFFF0] =	vst v27;
	(erf) = vrcp.f32 v28;
	v23 =	vld [tilespmem:s28+$0x0];
	v14 =	vsel vm6, v26, v25;
	v17 =	vsel vm6, v27, v17  }
.LBB2_2:
0x10f: {  	p0 =	slt.u32 s30, $0x120;
	v25 =	vld [tilespmem:s29+$0x0];
	s24 =	sadd.s32 $0x20, s24;
	v24 =	vmul.f32 $1.442695020e+00, v24;
	v21 =	vmul.f32 v21, v0;
	[tilespmem:s19+$0x0] =	vst v13;
	vm6 =	vgt.f32 v13, v17  }
0x110: {  	v15 =	vmax.f32 v6, v15;
	v26 =	vld [tilespmem:s24+$0x0];
	v14 =	vsel vm6, v10, v14;
	v17 =	vsel vm6, v13, v17  }
0x111: {  	v10 =	vmin.f32 v8, v18;
	v13 =	vld [tilespmem:s24+$0xFFFFFFF0];
	v18 =	vmul.f32 $1.442695020e+00, v21;
	(erf) = vpow2.f32 v24  }
0x112: {  	v19 =	vmax.f32 v6, v19;
	v20 =	vmin.f32 v7, v20;
	v21 =	vmax.f32 v5, v22  }
0x113: {  	v10 =	vsub.f32 v10, v19;
	v19 =	vsub.f32 v20, v21;
	(erf) = vpow2.f32 v18  }
0x114: {  	s21 =	sadd.s32 $0x20, s21;
	v15 =	vsub.f32 v16, v15;
	v16 =	vmin.f32 v7, v23;
	v20 =	vmax.f32 v5, v25  }
0x115: {  	s25 =	sadd.s32 $0x20, s25;
	v10 =	vmax.f32 v10, $0.0e+00;
	v19 =	vmax.f32 v19, $0.0e+00;
	v16 =	vsub.f32 v16, v20;
	v18 =	vpop (erf);
	v20 =	vld [tilespmem:s21+$0xFFFFFFF0]  }
0x116: {  	s31 =	sadd.s32 $0x10, s22;
	v21 =	vld [tilespmem:s25+$0x0];
	v10 =	vmul.f32 v19, v10;
	v13 =	vadd.f32 v13, v9;
	v19 =	vadd.f32 v26, v9  }
0x117: {  	s0 =	scvt.s32.f32 s22;
	s22 =	smov.u32 s23;
	s31 =	scvt.s32.f32 s31;
	v15 =	vmax.f32 v15, $0.0e+00;
	v18 =	vmul.f32 v18, v12;
	v16 =	vmax.f32 v16, $0.0e+00;
	v12 =	vpop (erf)  }
0x118: {  	s26 =	sadd.s32 $0x20, s26;
	s23 =	smov.u32 s20;
	s20 =	smov.u32 s30;
	v13 =	vsub.f32 v13, v10;
	v22 =	vmul.f32 v12, v11;
	v11 =	vmul.f32 v16, v15;
	v23 =	vld [tilespmem:s21+$0x0];
	v12 =	vmovc v10  }
0x119: {  	v25 =	vadd.f32 s0, v1;
	v24 =	vmul.f32 v18, v18;
	v10 =	vadd.f32 s31, v1;
	v15 =	vld [tilespmem:s26+$0x0]  }
.Ltmp0:
0x11a: {  	v18 =	vld [tilespmem:s25+$0xFFFFFFF0];
	v28 =	vadd.f32 $9.999999710e-10, v13;
	v26 =	vsub.f32 v19, v11;
	v22 =	vmul.f32 v22, v22;
	v27 =	vpop (erf);
	(pc) =	sbr.rel @p0 .LBB2_2-.Ltmp0, $4  }
0x11b: {  	s28 =	sadd.s32 $0x20, s28;
	v24 =	vsub.f32 $0.0e+00, v24;
	v19 =	vld [tilespmem:s26+$0xFFFFFFF0];
	v16 =	vmin.f32 v8, v21;
	v27 =	vmul.f32 v27, v20  }
0x11c: {  	s29 =	sadd.s32 $0x20, s29;
	s19 =	sadd.s32 $0x20, s19;
	v20 =	vld [tilespmem:s28+$0xFFFFFFF0];
	v26 =	vadd.f32 $9.999999710e-10, v26;
	(erf) = vrcp.f32 v28;
	v21 =	vsub.f32 $0.0e+00, v22;
	v13 =	vpop (erf)  }
0x11d: {  	v24 =	vmul.f32 v24, v0;
	v22 =	vld [tilespmem:s29+$0xFFFFFFF0];
	[tilespmem:s19+$0xFFFFFFF0] =	vst v27;
	vm6 =	vgt.f32 v27, v17;
	v13 =	vmul.f32 v13, v23  }
0x11e: {  	s30 =	sadd.s32 $0x20, s30;
	v23 =	vld [tilespmem:s28+$0x0];
	(erf) = vrcp.f32 v26;
	v14 =	vsel vm6, v25, v14;
	v17 =	vsel vm6, v27, v17  }
0x11f: {  	v25 =	vld [tilespmem:s29+$0x0]  }
0x120: {  	s0 =	sadd.s32 $0x20, s24  }
0x121: {  	v8 =	vmin.f32 v8, v18;
	v18 =	vld [tilespmem:s0+$0xFFFFFFF0]  }
0x122: {  	v19 =	vmax.f32 v6, v19;
	v20 =	vmin.f32 v7, v20;
	v22 =	vmax.f32 v5, v22  }
0x123: {  	v6 =	vmax.f32 v6, v15;
	v15 =	vld [tilespmem:s0+$0x0];
	v8 =	vsub.f32 v8, v19;
	v19 =	vsub.f32 v20, v22  }
0x124: {  	v6 =	vsub.f32 v16, v6;
	v7 =	vmin.f32 v7, v23;
	v5 =	vmax.f32 v5, v25  }
0x125: {  	v8 =	vmax.f32 v8, $0.0e+00;
	v16 =	vmax.f32 v19, $0.0e+00;
	v5 =	vsub.f32 v7, v5  }
0x126: {  	v6 =	vmax.f32 v6, $0.0e+00;
	v8 =	vmul.f32 v16, v8;
	v16 =	vadd.f32 v18, v9  }
0x127: {  	v7 =	vmul.f32 $1.442695020e+00, v24;
	v18 =	vmul.f32 v21, v0;
	v5 =	vmax.f32 v5, $0.0e+00  }
0x128: {  	v9 =	vadd.f32 v15, v9;
	v15 =	vsub.f32 v16, v8;
	v5 =	vmul.f32 v5, v6  }
0x129: {  	v6 =	vmul.f32 $1.442695020e+00, v18  }
0x12a: {  	(erf) = vpow2.f32 v7;
	v7 =	vadd.f32 $9.999999710e-10, v15;
	v9 =	vsub.f32 v9, v5  }
0x12b: {  	(erf) = vpow2.f32 v6  }
0x12c: {  	v6 =	vadd.f32 $9.999999710e-10, v9;
	(erf) = vrcp.f32 v7;
	_ =	sdelay $0x1  }
0x12d: {  	(erf) = vrcp.f32 v6;
	_ =	sdelay $0x1  }
0x12e: {  	v6 =	vpop (erf)  }
0x12f: {  	v6 =	vmul.f32 v6, v12  }
0x130: {  	v7 =	vpop (erf)  }
0x131: {  	v7 =	vmul.f32 v7, v11;
	v9 =	vpop (erf);
	v6 =	vmul.f32 v6, v6  }
0x132: {  	v11 =	vpop (erf)  }
0x133: {  	v7 =	vmul.f32 v7, v7;
	v6 =	vsub.f32 $0.0e+00, v6;
	v12 =	vpop (erf)  }
0x134: {  	v8 =	vmul.f32 v12, v8  }
0x135: {  	v7 =	vsub.f32 $0.0e+00, v7;
	v6 =	vmul.f32 v6, v0;
	v12 =	vpop (erf)  }
0x136: {  	v5 =	vmul.f32 v12, v5;
	v8 =	vmul.f32 v8, v8  }
0x137: {  	v7 =	vmul.f32 v7, v0  }
0x138: {  	v6 =	vmul.f32 $1.442695020e+00, v6;
	v5 =	vmul.f32 v5, v5;
	v8 =	vsub.f32 $0.0e+00, v8  }
0x139: {  	v7 =	vmul.f32 $1.442695020e+00, v7  }
0x13a: {  	s24 =	sadd.s32 $0x20, s21;
	(erf) = vpow2.f32 v6;
	v5 =	vsub.f32 $0.0e+00, v5;
	v6 =	vmul.f32 v8, v0  }
0x13b: {  	v8 =	vld [tilespmem:s24+$0xFFFFFFF0];
	(erf) = vpow2.f32 v7  }
0x13c: {  	v6 =	vmul.f32 $1.442695020e+00, v6;
	v5 =	vmul.f32 v5, v0  }
0x13d: {  	v7 =	vld [tilespmem:s24+$0x0]  }
0x13e: {  	s0 =	sadd.s32 $0x20, s24;
	v5 =	vmul.f32 $1.442695020e+00, v5;
	(erf) = vpow2.f32 v6  }
0x13f: {  	v6 =	vld [tilespmem:s0+$0xFFFFFFF0]  }
0x140: {  	vm6 =	vgt.f32 v13, v17;
	v8 =	vmul.f32 v9, v8;
	(erf) = vpow2.f32 v5  }
0x141: {  	v9 =	vld [tilespmem:s0+$0x0];
	v5 =	vsel vm6, v13, v17  }
0x142: {  	v7 =	vmul.f32 v11, v7;
	s0 =	sadd.s32 $0x20, s0;
	vm7 =	vgt.f32 v8, v5  }
0x143: {  	v12 =	vld [tilespmem:s0+$0xFFFFFFF0];
	v5 =	vsel vm7, v8, v5;
	v11 =	vpop (erf)  }
0x144: {  	vm8 =	vgt.f32 v7, v5;
	v6 =	vmul.f32 v11, v6  }
0x145: {  	v15 =	vld [tilespmem:s0+$0x0];
	v11 =	vpop (erf);
	v5 =	vsel vm8, v7, v5  }
0x146: {  	v9 =	vmul.f32 v11, v9;
	vm9 =	vgt.f32 v6, v5  }
0x147: {  	v5 =	vsel vm9, v6, v5;
	v11 =	vpop (erf)  }
0x148: {  	vm10 =	vgt.f32 v9, v5;
	v11 =	vmul.f32 v11, v12  }
0x149: {  	v5 =	vsel vm10, v9, v5;
	v12 =	vpop (erf)  }
0x14a: {  	vm11 =	vgt.f32 v11, v5;
	v12 =	vmul.f32 v12, v15  }
0x14b: {  	v5 =	vsel vm11, v11, v5  }
0x14c: {  	vm12 =	vgt.f32 v12, v5  }
0x14d: {  	v5 =	vsel vm12, v12, v5  }
0x14e: {  	s25 =	sadd.s32 $0x10, s22;
	s26 =	scvt.s32.f32 s22;
	(xrf0) =	vmax.scan.msk.f32 $0xffff, v5  }
0x14f: {  	s0 =	scvt.s32.f32 s25  }
0x150: {  	s30 =	sadd.s32 $0x10, s23;
	s31 =	scvt.s32.f32 s23;
	v15 =	vadd.f32 s26, v1  }
0x151: {  	v10 =	vsel vm6, v10, v14;
	s23 =	scvt.s32.f32 s30;
	v14 =	vadd.f32 s0, v1  }
0x152: {  	s24 =	sadd.s32 $0x10, s20;
	s25 =	scvt.s32.f32 s20;
	v10 =	vsel vm7, v15, v10;
	v15 =	vadd.f32 s31, v1  }
0x153: {  	s26 =	scvt.s32.f32 s24;
	v10 =	vsel vm8, v14, v10;
	v14 =	vadd.f32 s23, v1  }
0x154: {  	v10 =	vsel vm9, v15, v10;
	v15 =	vadd.f32 s25, v1;
	v16, _, _ =	vpop (xrf0)  }
0x155: {  	v10 =	vsel vm10, v14, v10;
	v14 =	vadd.f32 s26, v1;
	v16 =	vbroadcast v16, $0xF  }
0x156: {  	v10 =	vsel vm11, v15, v10  }
0x157: {  	v10 =	vsel vm12, v14, v10;
	vm6 =	veq.f32 v5, v16  }
0x158: {  	v5 =	vnsel vm6, $0x47C34F80, v10  }
0x159: {  	(xrf0) =	vmin.scan.msk.f32 $0xffff, v5;
	_ =	sdelay $0x5  }
0x15a: {  	v5, _, _ =	vpop (xrf0)  }
0x15b: {  	(v2sf) =	vpush v5, $0xF;
	_ =	sdelay $0xe  }
0x15c: {  	s30 =	spop (v2sf)  }
0x15d: {  	[tilespmem:s19+$0x0] =	vst v13;
	s31 =	sadd.s32 $0x20, s19;
	s0 =	scvt.f32.s32 s30  }
0x15e: {  	[tilespmem:s31+$0xFFFFFFF0] =	vst v8  }
0x15f: {  	[tilespmem:s31+$0x0] =	vst v7;
	s19 =	sadd.s32 $0x20, s31;
	v7 =	vmov s0  }
0x160: {  	[tilespmem:s19+$0xFFFFFFF0] =	vst v6  }
0x161: {  	[tilespmem:s19+$0x0] =	vst v9;
	s20 =	sadd.s32 $0x20, s19  }
0x162: {  	[tilespmem:s20+$0xFFFFFFF0] =	vst v11  }
0x163: {  	s19 =	simm.s32 $0x0;
	[tilespmem:s20+$0x0] =	vst v12  }
0x164: {  	v6 =	vld.idx.msk [tilespmem:v7+s19+$0x0], $0xffff  }
0x165: {  	v8 =	vld.idx.msk [tilespmem:v7+s6+$0x0], $0xffff  }
0x166: {  	v5 =	vbroadcast v5, $0xF;
	v9 =	vld.idx.msk [tilespmem:v7+s7+$0x0], $0xffff  }
0x167: {  	v7 =	vld.idx.msk [tilespmem:v7+s8+$0x0], $0xffff  }
0x168: {  	v5 =	vsel vm0, v16, v5  }
0x169: {  	v5 =	vsel vm1, v5, v6  }
0x16a: {  	v5 =	vsel vm2, v5, v8  }
0x16b: {  	v5 =	vsel vm3, v5, v9  }
0x16c: {  	v5 =	vsel vm4, v5, v7  }
0x16d: {  	[tilespmem:$0xC00] =	vst v5  }
0x16e: {  	[spmem:s11] =	stream.linear.scatter [tilespmem:s13], [sflag:$0x1], $0x10, $0x38;
	[tilespmem:$0xDA0] =	vst v63  }
0x16f: {  	_ =	swait.ge [sflag:s5], $0x10  }
0x170: {  	[sflag:s5] =	ssyncset.done $0x0  }
0x171: {  	[sflag:s5] =	ssyncadd.s32 $0xFFFFFFF0  }
0x172: {  	[bflag:$0x0] =	sbarrier.arrive $0xFFFF  }
0x173: {  	[tilespmem:s14], [sflag:$0x1] =	stream.linear.gather [spmem:s12], $0x100, $0x38;
	[tilespmem:$0xDA0] =	vst v63  }
0x174: {  	_ =	swait.ge [sflag:s5], $0x100  }
0x175: {  	[sflag:s5] =	ssyncset.done $0x0  }
0x176: {  	[sflag:s5] =	ssyncadd.s32 $0xFFFFFF00  }
0x177: {  	v5 =	vld.idx.msk [tilespmem:v3+s14+$0x0], $0xffff;
	_ =	sdelay $0x4  }
0x178: {  	(xrf0) =	vmax.scan.msk.f32 $0xffff, v5;
	_ =	sdelay $0x5  }
0x179: {  	v6, _, _ =	vpop (xrf0)  }
0x17a: {  	v7 =	vbroadcast v6, $0xF;
	_ =	sdelay $0x1  }
0x17b: {  	(v2sf) =	vpush v6, $0xF;
	vm6 =	veq.f32 v5, v7  }
0x17c: {  	v5 =	vmctz.xlane vm6;
	_ =	sdelay $0x1  }
0x17d: {  	v6 =	vshll.u32 v5, $0x4  }
0x17e: {  	v7 =	vor.u32 $0x1, v6;
	_ =	sdelay $0x4  }
0x17f: {  	v7 =	vld.idx.msk [tilespmem:v7+s14+$0x0], $0xffff;
	_ =	sdelay $0x2  }
0x180: {  	v9 =	vor.u32 $0x3, v6  }
0x181: {  	vm6 =	veq.s32 v5, v2;
	v11 =	vor.u32 $0x5, v6  }
0x182: {  	s21 =	sor.u32 $0x1, s18;
	v8 =	vor.u32 $0x2, v6;
	v10 =	vor.u32 $0x4, v6;
	v6 =	vtrunc.f32 v7  }
0x183: {  	v12 =	vmov s21;
	vm5 =	vmand vm6, vm5;
	s18 =	spop (v2sf);
	v13 =	vcvt.f32.s32 v6  }
0x184: {  	p0 =	slt.f32 s18, $1.000000050e-03  }
0x185: {  	v5 =	vld.idx.msk [tilespmem:v9+s14+$0x0], $0xffff  }
0x186: {  	v7 =	vld.idx.msk [tilespmem:v11+s14+$0x0], $0xffff;
	s18 =	simm.s32 @p0 $0x0  }
0x187: {  	v6 =	vld.idx.msk [tilespmem:v8+s14+$0x0], $0xffff;
	v9 =	vmov s18  }
0x188: {  	v8 =	vld.idx.msk [tilespmem:v10+s14+$0x0], $0xffff;
	[tilespmem:v12+s15+$0x0] =	vst.idx.msk $0x1, v9  }
0x189: {  	s22 =	simm.s32 $0x310;
	[tilespmem:v13+s16+$0x0] =	vst.idx.msk vm5, v4  }
0x18a: {  	s23 =	simm.s32 $0x10;
	v10 =	vld [tilespmem:s22+$0x0]  }
0x18b: {  	v11 =	vld [tilespmem:s23+$0x0]  }
0x18c: {  	v12 =	vld [tilespmem:s22+$0xFFFFFFF0]  }
0x18d: {  	s24 =	simm.s32 $0x490;
	v13 =	vld [tilespmem:s23+$0xFFFFFFF0]  }
0x18e: {  	s25 =	simm.s32 $0x190;
	v14 =	vld [tilespmem:s24+$0xFFFFFFF0]  }
0x18f: {  	v15 =	vld [tilespmem:s25+$0xFFFFFFF0]  }
0x190: {  	v16 =	vld [tilespmem:s24+$0x0]  }
0x191: {  	v17 =	vsub.f32 v7, v5;
	v9 =	vsub.f32 v8, v6;
	v18 =	vld [tilespmem:s25+$0x0];
	_ =	sdelay $0x1  }
0x192: {  	s26 =	simm.s32 $0x610;
	v9 =	vmul.f32 v17, v9;
	v10 =	vmin.f32 v8, v10;
	v12 =	vmin.f32 v8, v12  }
0x193: {  	v17 =	vld [tilespmem:s26+$0xFFFFFFF0];
	v13 =	vmax.f32 v6, v13;
	v14 =	vmin.f32 v7, v14;
	v15 =	vmax.f32 v5, v15  }
0x194: {  	v19 =	vld [tilespmem:s26+$0x0];
	v11 =	vmax.f32 v6, v11;
	v12 =	vsub.f32 v12, v13;
	v13 =	vsub.f32 v14, v15  }
0x195: {  	v10 =	vsub.f32 v10, v11;
	v11 =	vmin.f32 v7, v16;
	v14 =	vmax.f32 v5, v18  }
0x196: {  	v11 =	vsub.f32 v11, v14  }
0x197: {  	s30 =	simm.s32 $0x330;
	v12 =	vmax.f32 v12, $0.0e+00;
	v13 =	vmax.f32 v13, $0.0e+00;
	v10 =	vmax.f32 v10, $0.0e+00  }
0x198: {  	s20 =	simm.s32 $0x4B0;
	v16 =	vld [tilespmem:s30+$0xFFFFFFF0];
	v12 =	vmul.f32 v13, v12;
	v13 =	vadd.f32 v17, v9;
	v11 =	vmax.f32 v11, $0.0e+00  }
0x199: {  	v15 =	vadd.f32 v19, v9;
	v18 =	vld [tilespmem:s20+$0xFFFFFFF0];
	v10 =	vmul.f32 v11, v10  }
0x19a: {  	v19 =	vld [tilespmem:s20+$0x0];
	v13 =	vsub.f32 v13, v12  }
0x19b: {  	s31 =	simm.s32 $0x30;
	v14 =	vld [tilespmem:s30+$0x0];
	v15 =	vsub.f32 v15, v10  }
0x19c: {  	v17 =	vld [tilespmem:s31+$0xFFFFFFF0];
	v13 =	vadd.f32 $9.999999710e-10, v13  }
0x19d: {  	s21 =	simm.s32 $0x1B0;
	v11 =	vld [tilespmem:s31+$0x0];
	v15 =	vadd.f32 $9.999999710e-10, v15  }
0x19e: {  	(erf) = vrcp.f32 v13;
	v13 =	vld [tilespmem:s21+$0xFFFFFFF0]  }
0x19f: {  	(erf) = vrcp.f32 v15;
	v15 =	vld [tilespmem:s21+$0x0];
	_ =	sdelay $0x1  }
0x1a0: {  	s22 =	simm.s32 $0x630;
	v16 =	vmin.f32 v8, v16;
	v18 =	vmin.f32 v7, v18  }
0x1a1: {  	v20 =	vld [tilespmem:s22+$0xFFFFFFF0];
	v14 =	vmin.f32 v8, v14;
	v17 =	vmax.f32 v6, v17;
	v11 =	vmax.f32 v6, v11  }
0x1a2: {  	v21 =	vld [tilespmem:s22+$0x0];
	v16 =	vsub.f32 v16, v17;
	v11 =	vsub.f32 v14, v11;
	v13 =	vmax.f32 v5, v13  }
0x1a3: {  	v14 =	vmin.f32 v7, v19;
	v13 =	vsub.f32 v18, v13;
	v15 =	vmax.f32 v5, v15  }
0x1a4: {  	v14 =	vsub.f32 v14, v15  }
0x1a5: {  	v16 =	vmax.f32 v16, $0.0e+00;
	v11 =	vmax.f32 v11, $0.0e+00;
	v13 =	vmax.f32 v13, $0.0e+00  }
0x1a6: {  	v15 =	vpop (erf);
	v13 =	vmul.f32 v13, v16;
	v16 =	vadd.f32 v20, v9;
	v14 =	vmax.f32 v14, $0.0e+00  }
0x1a7: {  	s26 =	simm.s32 $0x1D0;
	v17 =	vadd.f32 v21, v9;
	v12 =	vmul.f32 v15, v12;
	v18 =	vpop (erf);
	v14 =	vmul.f32 v14, v11  }
0x1a8: {  	s24 =	simm.s32 $0x50;
	v22 =	vld [tilespmem:s26+$0x0];
	v11 =	vsub.f32 v16, v13;
	v10 =	vmul.f32 v18, v10  }
0x1a9: {  	s23 =	simm.s32 $0x350;
	v19 =	vld [tilespmem:s24+$0xFFFFFFF0];
	v12 =	vmul.f32 v12, v12;
	v17 =	vsub.f32 v17, v14  }
0x1aa: {  	v15 =	vld [tilespmem:s23+$0x0];
	v11 =	vadd.f32 $9.999999710e-10, v11;
	v10 =	vmul.f32 v10, v10  }
0x1ab: {  	v16 =	vld [tilespmem:s24+$0x0];
	v12 =	vsub.f32 $0.0e+00, v12;
	v17 =	vadd.f32 $9.999999710e-10, v17  }
0x1ac: {  	s25 =	simm.s32 $0x4D0;
	v18 =	vld [tilespmem:s23+$0xFFFFFFF0];
	(erf) = vrcp.f32 v11;
	v10 =	vsub.f32 $0.0e+00, v10  }
0x1ad: {  	v20 =	vld [tilespmem:s25+$0xFFFFFFF0];
	v12 =	vmul.f32 v12, v0;
	(erf) = vrcp.f32 v17  }
0x1ae: {  	v11 =	vld [tilespmem:s26+$0xFFFFFFF0];
	v10 =	vmul.f32 v10, v0  }
0x1af: {  	v21 =	vld [tilespmem:s25+$0x0];
	v12 =	vmul.f32 $1.442695020e+00, v12  }
0x1b0: {  	v15 =	vmin.f32 v8, v15;
	v10 =	vmul.f32 $1.442695020e+00, v10  }
0x1b1: {  	s23 =	simm.s32 $0x650;
	v16 =	vmax.f32 v6, v16;
	v18 =	vmin.f32 v8, v18;
	(erf) = vpow2.f32 v12  }
0x1b2: {  	v24 =	vld [tilespmem:s23+$0xFFFFFFF0];
	(erf) = vpow2.f32 v10;
	v10 =	vsub.f32 v15, v16;
	v16 =	vmax.f32 v5, v22  }
0x1b3: {  	v23 =	vld [tilespmem:s23+$0x0];
	v12 =	vmax.f32 v6, v19;
	v19 =	vmin.f32 v7, v20;
	v11 =	vmax.f32 v5, v11  }
0x1b4: {  	v12 =	vsub.f32 v18, v12;
	v11 =	vsub.f32 v19, v11;
	v15 =	vmin.f32 v7, v21  }
0x1b5: {  	v25 =	vimm.f32 $0.0e+00;
	s20 =	simm.s32 $0x910;
	v15 =	vsub.f32 v15, v16;
	v16 =	vpop (erf)  }
0x1b6: {  	s24 =	simm.s32 $0x370;
	v20 =	vld [tilespmem:s20+$0xFFFFFFF0];
	v12 =	vmax.f32 v12, $0.0e+00;
	v11 =	vmax.f32 v11, $0.0e+00;
	v13 =	vmul.f32 v16, v13;
	v16 =	vpop (erf)  }
0x1b7: {  	s30 =	simm.s32 $0x10;
	v21 =	vld [tilespmem:s24+$0x0];
	v12 =	vmul.f32 v11, v12;
	v11 =	vadd.f32 v24, v9;
	v14 =	vmul.f32 v16, v14  }
0x1b8: {  	s0 =	scvt.s32.f32 s30;
	s31 =	scvt.s32.f32 s19;
	v19 =	vadd.f32 v23, v9;
	v10 =	vmax.f32 v10, $0.0e+00;
	v15 =	vmax.f32 v15, $0.0e+00  }
0x1b9: {  	v23 =	vld [tilespmem:s20+$0x0];
	v22 =	vsub.f32 v11, v12;
	v11 =	vmul.f32 v15, v10;
	v14 =	vmul.f32 v14, v14  }
0x1ba: {  	v26 =	vadd.f32 s31, v1;
	s25 =	simm.s32 $0x70;
	v18 =	vld [tilespmem:s24+$0xFFFFFFF0];
	v10 =	vadd.f32 s0, v1;
	v13 =	vmul.f32 v13, v13  }
0x1bb: {  	v17 =	vimm.f32 $-2.000000000e+00;
	v15 =	vld [tilespmem:s25+$0x0];
	v22 =	vadd.f32 $9.999999710e-10, v22;
	v24 =	vsub.f32 v19, v11;
	v27 =	vpop (erf)  }
0x1bc: {  	s26 =	simm.s32 $0x4F0;
	v16 =	vmin.f32 v8, v21;
	v19 =	vld [tilespmem:s25+$0xFFFFFFF0];
	v13 =	vsub.f32 $0.0e+00, v13;
	v27 =	vmul.f32 v27, v20  }
0x1bd: {  	s28 =	simm.s32 $0x1F0;
	v20 =	vld [tilespmem:s26+$0xFFFFFFF0];
	v28 =	vadd.f32 $9.999999710e-10, v24;
	(erf) = vrcp.f32 v22;
	v21 =	vsub.f32 $0.0e+00, v14;
	v14 =	vpop (erf)  }
0x1be: {  	s29 =	simm.s32 $0x80;
	s18 =	simm.s32 $0x790;
	v22 =	vld [tilespmem:s28+$0xFFFFFFF0];
	v24 =	vmul.f32 v13, v0;
	vm5 =	vgt.f32 v27, v17;
	v13 =	vmul.f32 v14, v23  }
0x1bf: {  	s22 =	simm.s32 $0x40;
	s19 =	simm.s32 $0x60;
	s21 =	simm.s32 $0x20;
	[tilespmem:s18+$0xFFFFFFF0] =	vst v27;
	(erf) = vrcp.f32 v28;
	v23 =	vld [tilespmem:s26+$0x0];
	v14 =	vsel vm5, v26, v25;
	v17 =	vsel vm5, v27, v17  }
.LBB2_4:
0x1c0: {  	p0 =	slt.u32 s29, $0x120;
	v25 =	vld [tilespmem:s28+$0x0];
	s23 =	sadd.s32 $0x20, s23;
	v24 =	vmul.f32 $1.442695020e+00, v24;
	v21 =	vmul.f32 v21, v0;
	[tilespmem:s18+$0x0] =	vst v13;
	vm5 =	vgt.f32 v13, v17  }
0x1c1: {  	v15 =	vmax.f32 v6, v15;
	v26 =	vld [tilespmem:s23+$0x0];
	v14 =	vsel vm5, v10, v14;
	v17 =	vsel vm5, v13, v17  }
0x1c2: {  	v10 =	vmin.f32 v8, v18;
	v13 =	vld [tilespmem:s23+$0xFFFFFFF0];
	v18 =	vmul.f32 $1.442695020e+00, v21;
	(erf) = vpow2.f32 v24  }
0x1c3: {  	v19 =	vmax.f32 v6, v19;
	v20 =	vmin.f32 v7, v20;
	v21 =	vmax.f32 v5, v22  }
0x1c4: {  	v10 =	vsub.f32 v10, v19;
	v19 =	vsub.f32 v20, v21;
	(erf) = vpow2.f32 v18  }
0x1c5: {  	s20 =	sadd.s32 $0x20, s20;
	v15 =	vsub.f32 v16, v15;
	v16 =	vmin.f32 v7, v23;
	v20 =	vmax.f32 v5, v25  }
0x1c6: {  	s24 =	sadd.s32 $0x20, s24;
	v10 =	vmax.f32 v10, $0.0e+00;
	v19 =	vmax.f32 v19, $0.0e+00;
	v16 =	vsub.f32 v16, v20;
	v18 =	vpop (erf);
	v20 =	vld [tilespmem:s20+$0xFFFFFFF0]  }
0x1c7: {  	s0 =	sadd.s32 $0x10, s21;
	v21 =	vld [tilespmem:s24+$0x0];
	v10 =	vmul.f32 v19, v10;
	v13 =	vadd.f32 v13, v9;
	v19 =	vadd.f32 v26, v9  }
0x1c8: {  	s30 =	scvt.s32.f32 s21;
	s21 =	smov.u32 s22;
	s0 =	scvt.s32.f32 s0;
	v15 =	vmax.f32 v15, $0.0e+00;
	v18 =	vmul.f32 v18, v12;
	v16 =	vmax.f32 v16, $0.0e+00;
	v12 =	vpop (erf)  }
0x1c9: {  	s25 =	sadd.s32 $0x20, s25;
	s22 =	smov.u32 s19;
	s19 =	smov.u32 s29;
	v13 =	vsub.f32 v13, v10;
	v22 =	vmul.f32 v12, v11;
	v11 =	vmul.f32 v16, v15;
	v23 =	vld [tilespmem:s20+$0x0];
	v12 =	vmovc v10  }
0x1ca: {  	v25 =	vadd.f32 s30, v1;
	v24 =	vmul.f32 v18, v18;
	v10 =	vadd.f32 s0, v1;
	v15 =	vld [tilespmem:s25+$0x0]  }
.Ltmp1:
0x1cb: {  	v18 =	vld [tilespmem:s24+$0xFFFFFFF0];
	v28 =	vadd.f32 $9.999999710e-10, v13;
	v26 =	vsub.f32 v19, v11;
	v22 =	vmul.f32 v22, v22;
	v27 =	vpop (erf);
	(pc) =	sbr.rel @p0 .LBB2_4-.Ltmp1, $4  }
0x1cc: {  	s26 =	sadd.s32 $0x20, s26;
	v24 =	vsub.f32 $0.0e+00, v24;
	v19 =	vld [tilespmem:s25+$0xFFFFFFF0];
	v16 =	vmin.f32 v8, v21;
	v27 =	vmul.f32 v27, v20  }
0x1cd: {  	s28 =	sadd.s32 $0x20, s28;
	s18 =	sadd.s32 $0x20, s18;
	v20 =	vld [tilespmem:s26+$0xFFFFFFF0];
	v26 =	vadd.f32 $9.999999710e-10, v26;
	(erf) = vrcp.f32 v28;
	v21 =	vsub.f32 $0.0e+00, v22;
	v13 =	vpop (erf)  }
0x1ce: {  	v24 =	vmul.f32 v24, v0;
	v22 =	vld [tilespmem:s28+$0xFFFFFFF0];
	[tilespmem:s18+$0xFFFFFFF0] =	vst v27;
	vm5 =	vgt.f32 v27, v17;
	v13 =	vmul.f32 v13, v23  }
0x1cf: {  	s29 =	sadd.s32 $0x20, s29;
	v23 =	vld [tilespmem:s26+$0x0];
	(erf) = vrcp.f32 v26;
	v14 =	vsel vm5, v25, v14;
	v17 =	vsel vm5, v27, v17  }
0x1d0: {  	v25 =	vld [tilespmem:s28+$0x0]  }
0x1d1: {  	s0 =	sadd.s32 $0x20, s23  }
0x1d2: {  	v8 =	vmin.f32 v8, v18;
	v37 =	vld [tilespmem:s0+$0xFFFFFFF0]  }
0x1d3: {  	v19 =	vmax.f32 v6, v19;
	v20 =	vmin.f32 v7, v20;
	v22 =	vmax.f32 v5, v22  }
0x1d4: {  	v6 =	vmax.f32 v6, v15;
	v38 =	vld [tilespmem:s0+$0x0];
	v8 =	vsub.f32 v8, v19;
	v39 =	vsub.f32 v20, v22  }
0x1d5: {  	v6 =	vsub.f32 v16, v6;
	v7 =	vmin.f32 v7, v23;
	v5 =	vmax.f32 v5, v25  }
0x1d6: {  	v8 =	vmax.f32 v8, $0.0e+00;
	v40 =	vmax.f32 v39, $0.0e+00;
	v5 =	vsub.f32 v7, v5  }
0x1d7: {  	v42 =	vmul.f32 v21, v0;
	v41 =	vadd.f32 v37, v9;
	v8 =	vmul.f32 v40, v8  }
0x1d8: {  	v6 =	vmax.f32 v6, $0.0e+00;
	v7 =	vmul.f32 $1.442695020e+00, v24;
	v5 =	vmax.f32 v5, $0.0e+00  }
0x1d9: {  	v43 =	vadd.f32 v38, v9;
	v44 =	vsub.f32 v41, v8;
	v5 =	vmul.f32 v5, v6  }
0x1da: {  	v6 =	vmul.f32 $1.442695020e+00, v42  }
0x1db: {  	(erf) = vpow2.f32 v7;
	v7 =	vadd.f32 $9.999999710e-10, v44;
	v9 =	vsub.f32 v43, v5  }
0x1dc: {  	(erf) = vpow2.f32 v6  }
0x1dd: {  	v6 =	vadd.f32 $9.999999710e-10, v9;
	(erf) = vrcp.f32 v7;
	_ =	sdelay $0x1  }
0x1de: {  	(erf) = vrcp.f32 v6;
	_ =	sdelay $0x1  }
0x1df: {  	v6 =	vpop (erf)  }
0x1e0: {  	v6 =	vmul.f32 v6, v12  }
0x1e1: {  	v7 =	vpop (erf)  }
0x1e2: {  	v7 =	vmul.f32 v7, v11;
	v45 =	vpop (erf);
	v6 =	vmul.f32 v6, v6  }
0x1e3: {  	v46 =	vpop (erf)  }
0x1e4: {  	v7 =	vmul.f32 v7, v7;
	v6 =	vsub.f32 $0.0e+00, v6;
	v47 =	vpop (erf)  }
0x1e5: {  	v8 =	vmul.f32 v47, v8  }
0x1e6: {  	v7 =	vsub.f32 $0.0e+00, v7;
	v6 =	vmul.f32 v6, v0;
	v48 =	vpop (erf)  }
0x1e7: {  	v5 =	vmul.f32 v48, v5;
	v8 =	vmul.f32 v8, v8  }
0x1e8: {  	v7 =	vmul.f32 v7, v0  }
0x1e9: {  	v6 =	vmul.f32 $1.442695020e+00, v6;
	v5 =	vmul.f32 v5, v5;
	v8 =	vsub.f32 $0.0e+00, v8  }
0x1ea: {  	v7 =	vmul.f32 $1.442695020e+00, v7  }
0x1eb: {  	s29 =	sadd.s32 $0x20, s20;
	(erf) = vpow2.f32 v6;
	v5 =	vsub.f32 $0.0e+00, v5;
	v6 =	vmul.f32 v8, v0  }
0x1ec: {  	v49 =	vld [tilespmem:s29+$0xFFFFFFF0];
	(erf) = vpow2.f32 v7  }
0x1ed: {  	v6 =	vmul.f32 $1.442695020e+00, v6;
	v5 =	vmul.f32 v5, v0  }
0x1ee: {  	v7 =	vld [tilespmem:s29+$0x0]  }
0x1ef: {  	s0 =	sadd.s32 $0x20, s29;
	v5 =	vmul.f32 $1.442695020e+00, v5;
	(erf) = vpow2.f32 v6  }
0x1f0: {  	v6 =	vld [tilespmem:s0+$0xFFFFFFF0]  }
0x1f1: {  	vm5 =	vgt.f32 v13, v17;
	v8 =	vmul.f32 v45, v49;
	(erf) = vpow2.f32 v5  }
0x1f2: {  	v50 =	vld [tilespmem:s0+$0x0];
	v5 =	vsel vm5, v13, v17  }
0x1f3: {  	s0 =	sadd.s32 $0x20, s0;
	v7 =	vmul.f32 v46, v7;
	vm6 =	vgt.f32 v8, v5  }
0x1f4: {  	v52 =	vld [tilespmem:s0+$0xFFFFFFF0];
	v5 =	vsel vm6, v8, v5;
	v51 =	vpop (erf)  }
0x1f5: {  	vm7 =	vgt.f32 v7, v5;
	v6 =	vmul.f32 v51, v6  }
0x1f6: {  	v54 =	vld [tilespmem:s0+$0x0];
	v53 =	vpop (erf);
	v5 =	vsel vm7, v7, v5  }
0x1f7: {  	v9 =	vmul.f32 v53, v50;
	vm8 =	vgt.f32 v6, v5  }
0x1f8: {  	v5 =	vsel vm8, v6, v5;
	v55 =	vpop (erf)  }
0x1f9: {  	vm9 =	vgt.f32 v9, v5;
	v11 =	vmul.f32 v55, v52  }
0x1fa: {  	v5 =	vsel vm9, v9, v5;
	v56 =	vpop (erf)  }
0x1fb: {  	vm10 =	vgt.f32 v11, v5;
	v12 =	vmul.f32 v56, v54  }
0x1fc: {  	v5 =	vsel vm10, v11, v5  }
0x1fd: {  	vm11 =	vgt.f32 v12, v5  }
0x1fe: {  	v5 =	vsel vm11, v12, v5  }
0x1ff: {  	s30 =	sadd.s32 $0x10, s21;
	s31 =	scvt.s32.f32 s21;
	(xrf0) =	vmax.scan.msk.f32 $0xffff, v5  }
0x200: {  	s0 =	scvt.s32.f32 s30  }
0x201: {  	s21 =	sadd.s32 $0x10, s22;
	s23 =	scvt.s32.f32 s22;
	v57 =	vadd.f32 s31, v1  }
0x202: {  	v10 =	vsel vm5, v10, v14;
	s24 =	scvt.s32.f32 s21;
	v58 =	vadd.f32 s0, v1  }
0x203: {  	s25 =	sadd.s32 $0x10, s19;
	s26 =	scvt.s32.f32 s19;
	v59 =	vadd.f32 s23, v1;
	v10 =	vsel vm6, v57, v10  }
0x204: {  	s28 =	scvt.s32.f32 s25;
	v60 =	vadd.f32 s24, v1;
	v10 =	vsel vm7, v58, v10  }
0x205: {  	v61 =	vadd.f32 s26, v1;
	v10 =	vsel vm8, v59, v10;
	v62, _, _ =	vpop (xrf0)  }
0x206: {  	v63 =	vadd.f32 s28, v1;
	v10 =	vsel vm9, v60, v10;
	v16 =	vbroadcast v62, $0xF  }
0x207: {  	v10 =	vsel vm10, v61, v10  }
0x208: {  	v10 =	vsel vm11, v63, v10;
	vm5 =	veq.f32 v5, v16  }
0x209: {  	v5 =	vnsel vm5, $0x47C34F80, v10  }
0x20a: {  	(xrf0) =	vmin.scan.msk.f32 $0xffff, v5;
	_ =	sdelay $0x5  }
0x20b: {  	v5, _, _ =	vpop (xrf0)  }
0x20c: {  	(v2sf) =	vpush v5, $0xF;
	_ =	sdelay $0xe  }
0x20d: {  	s29 =	spop (v2sf)  }
0x20e: {  	[tilespmem:s18+$0x0] =	vst v13;
	s30 =	sadd.s32 $0x20, s18;
	s0 =	scvt.f32.s32 s29  }
0x20f: {  	[tilespmem:s30+$0xFFFFFFF0] =	vst v8  }
0x210: {  	s18 =	sadd.s32 $0x20, s30;
	[tilespmem:s30+$0x0] =	vst v7;
	v7 =	vmov s0  }
0x211: {  	[tilespmem:s18+$0xFFFFFFF0] =	vst v6  }
0x212: {  	s31 =	sadd.s32 $0x20, s18;
	[tilespmem:s18+$0x0] =	vst v9  }
0x213: {  	[tilespmem:s31+$0xFFFFFFF0] =	vst v11  }
0x214: {  	[tilespmem:s31+$0x0] =	vst v12  }
0x215: {  	v6 =	vld.idx.msk [tilespmem:v7+s3+$0x0], $0xffff  }
0x216: {  	v8 =	vld.idx.msk [tilespmem:v7+s6+$0x0], $0xffff  }
0x217: {  	v5 =	vbroadcast v5, $0xF;
	v9 =	vld.idx.msk [tilespmem:v7+s7+$0x0], $0xffff  }
0x218: {  	s17 =	sadd.s32 $0x1, s17;
	v7 =	vld.idx.msk [tilespmem:v7+s8+$0x0], $0xffff  }
0x219: {  	p0 =	sne.s32 s17, $0x96;
	v5 =	vsel vm0, v16, v5  }
.Ltmp2:
0x21a: {  	v5 =	vsel vm1, v5, v6;
	(pc) =	sbr.rel @p0 .LBB2_1-.Ltmp2, $4  }
0x21b: {  	v5 =	vsel vm2, v5, v8  }
0x21c: {  	v5 =	vsel vm3, v5, v9  }
0x21d: {  	v5 =	vsel vm4, v5, v7  }
0x21e: {  	[tilespmem:$0xC00] =	vst v5  }
0x21f: {  	p0 =	sne.s32 s4, $0x0  }
0x220: {  	_ =	sfence.sel @p0 $0x180000  }
0x221: {  	[bflag:$0x0] =	sbarrier.arrive @p0 $0xFFFF  }
0x222: {  	_ =	strace @p0 $0x90000047  }
0x223: {  	s0 =	simm.s32 @!p0 $0x0;
	s2 =	simm.s32 @!p0 $0xA80;
	[bflag:$0x2] =	sbarrier.arrive @p0 $0xFFFF  }
0x224: {  	[hbm4b:s1+s0] =	stream.linear.scatter @!p0 [tilespmem:s2], [sflag:$0x1], $0x12C, $0x38;
	[tilespmem:$0xDA0] =	vst v63  }
0x225: {  	s0 =	simm.s32 @!p0 $0x1  }
0x226: {  	_ =	swait.ge @!p0 [sflag:s0], $0x12C  }
0x227: {  	[sflag:s0] =	ssyncset.done @!p0 $0x0  }
0x228: {  	[sflag:s0] =	ssyncadd.s32 @!p0 $0xFFFFFED4  }
0x229: {  	_ =	sfence.sel @!p0 $0x180000  }
0x22a: {  	[bflag:$0x0] =	sbarrier.arrive @!p0 $0xFFFF  }
0x22b: {  	_ =	strace @!p0 $0x90000047  }
0x22c: {  	[bflag:$0x2] =	sbarrier.arrive @!p0 $0xFFFF  }
0x22d: {  	s0 =	rddreg [dreg:$0x3]  }
0x22e: {  	s0 =	sadd.s32 @!p0 $0x100000, s0  }
0x22f: {  	[sflag:s0] =	ssyncadd.tile.s32 @!p0 $0x1;
	_ =	shalt  }
.Lfunc_end2:
_tile_overlayer_lowered:
.L_overlay_start_2:
0x230: {  	(tag) =	ssettag $0x2  }
0x231: {  	s0 =	rddreg [dreg:$0x0];
	s2 =	stileid.u32  }
0x232: {  	s1 =	rddreg [dreg:$0x1];
	p0 =	sne.s32 s2, $0x0  }
0x233: {  	s3 =	rddreg [dreg:$0x2];
	[bflag:$0x3] =	sbarrier.arrive $0xFFFF;
	s2 =	simm.s32 @!p0 $0x1C01  }
0x234: {  	[timem:s3], [sflag:s2] =	dma.local @!p0 [hbm:s0], s1  }
0x235: {  	s0 =	simm.s32 @!p0 $0x1  }
0x236: {  	_ =	swait.ge @!p0 [sflag:s0], s1  }
0x237: {  	s1 =	ssub.s32 @!p0 $0x0, s1;
	[sflag:s0] =	ssyncset.done @!p0 $0x0  }
0x238: {  	[sflag:s0] =	ssyncadd.s32 @!p0 s1  }
0x239: {  	[bflag:$0x3] =	sbarrier.arrive $0xFFFF  }
0x23a: {  	_ =	shalt  }

</sc_bundles>
